<compile_context>
chip_gen: v7x
topology: tpu7x:2x2x1
jax: 0.10.2.dev20260603
libtpu: 0.0.44.dev20260713+nightly
codegen_flags: <defaults>
</compile_context>

<pallas_src>
import functools

import jax
import jax.numpy as jnp
from jax import lax
from jax.experimental import pallas as pl
from jax.experimental.pallas import tpu as pltpu
from jax.experimental.pallas import tpu_sc as plsc

N = 10000
E = 320000
D = 128

NC = 2
NS = 16
NW = NC * NS
CHUNK = 128
K = 80
EPW = K * CHUNK
EPAD = NW * EPW
NPAD = 10240
RPT = NPAD // NS

_mesh = plsc.VectorSubcoreMesh(core_axis_name="c", subcore_axis_name="s")


@functools.partial(
    pl.kernel, mesh=_mesh,
    out_type=jax.ShapeDtypeStruct((NC, NPAD, 16), jnp.float32),
    scratch_types=[
        pltpu.VMEM_SHARED((NPAD, 16), jnp.float32),
        pltpu.VMEM((K, CHUNK), jnp.int32),
        pltpu.VMEM((CHUNK, 16), jnp.float32),
    ])
def _count_kernel(dst_hbm, z16_hbm, ones_hbm, cnt_out, cnt_sh, dst_v, ones_v):
    cid = lax.axis_index("c")
    sid = lax.axis_index("s")
    r0 = sid * RPT
    pltpu.sync_copy(z16_hbm.at[pl.ds(r0, RPT)], cnt_sh.at[pl.ds(r0, RPT)])
    pltpu.sync_copy(ones_hbm, ones_v)
    pltpu.sync_copy(dst_hbm.at[cid, sid], dst_v)
    plsc.subcore_barrier()

    def chunk(j, carry):
        pltpu.sync_copy(ones_v, cnt_sh.at[dst_v.at[j]], add=True)
        return carry

    lax.fori_loop(0, K, chunk, 0)
    plsc.subcore_barrier()
    pltpu.sync_copy(cnt_sh.at[pl.ds(r0, RPT)], cnt_out.at[cid, pl.ds(r0, RPT)])


@functools.partial(
    pl.kernel, mesh=_mesh,
    out_type=jax.ShapeDtypeStruct((NC, NPAD, D), jnp.float32),
    scratch_types=[
        pltpu.VMEM_SHARED((NPAD, D), jnp.float32),
        pltpu.VMEM((K, CHUNK), jnp.int32),
        pltpu.VMEM((K, CHUNK), jnp.int32),
        pltpu.VMEM((CHUNK, D), jnp.float32),
        pltpu.SemaphoreType.DMA,
    ])
def _agg_kernel(src_hbm, dst_hbm, x_hbm, z128_hbm, acc_out,
                acc_sh, src_v, dst_v, rows_v, sem):
    cid = lax.axis_index("c")
    sid = lax.axis_index("s")
    r0 = sid * RPT
    pltpu.sync_copy(z128_hbm.at[pl.ds(r0, RPT)], acc_sh.at[pl.ds(r0, RPT)])
    pltpu.sync_copy(src_hbm.at[cid, sid], src_v)
    pltpu.sync_copy(dst_hbm.at[cid, sid], dst_v)
    plsc.subcore_barrier()

    def chunk(j, carry):
        pltpu.async_copy(x_hbm.at[src_v.at[j]], rows_v, sem).wait()
        pltpu.sync_copy(rows_v, acc_sh.at[dst_v.at[j]], add=True)
        return carry

    lax.fori_loop(0, K, chunk, 0)
    plsc.subcore_barrier()
    pltpu.sync_copy(acc_sh.at[pl.ds(r0, RPT)], acc_out.at[cid, pl.ds(r0, RPT)])


def _combine_body(p_ref, c_ref, x_ref, wl_ref, wr_ref, b_ref, o_ref, *, relu):
    sums = p_ref[0] + p_ref[1]
    cnt = c_ref[0, :, 0:1] + c_ref[1, :, 0:1]
    mean = sums / jnp.maximum(cnt, 1.0)
    y = jnp.dot(mean, wl_ref[:], preferred_element_type=jnp.float32)
    y = y + jnp.dot(x_ref[:], wr_ref[:], preferred_element_type=jnp.float32)
    y = y + b_ref[:]
    o_ref[:] = jnp.maximum(y, 0.0) if relu else y


def _combine(p, c, xp, wl_t, wr_t, b, relu):
    BR = 256
    grid = (NPAD // BR,)
    return pl.pallas_call(
        functools.partial(_combine_body, relu=relu),
        grid=grid,
        in_specs=[
            pl.BlockSpec((NC, BR, D), lambda i: (0, i, 0)),
            pl.BlockSpec((NC, BR, 16), lambda i: (0, i, 0)),
            pl.BlockSpec((BR, D), lambda i: (i, 0)),
            pl.BlockSpec((D, D), lambda i: (0, 0)),
            pl.BlockSpec((D, D), lambda i: (0, 0)),
            pl.BlockSpec((1, D), lambda i: (0, 0)),
        ],
        out_specs=pl.BlockSpec((BR, D), lambda i: (i, 0)),
        out_shape=jax.ShapeDtypeStruct((NPAD, D), jnp.float32),
    )(p, c, xp, wl_t, wr_t, b)


def kernel(x, edge_index, W1_l, b1, W1_r, W2_l, b2, W2_r):
    src = edge_index[0]
    dst = edge_index[1]
    src_p = jnp.concatenate(
        [src, jnp.zeros((EPAD - E,), jnp.int32)]).reshape(NC, NS, K, CHUNK)
    dst_p = jnp.concatenate(
        [dst, jnp.full((EPAD - E,), N, jnp.int32)]).reshape(NC, NS, K, CHUNK)
    x_p = jnp.pad(x, ((0, NPAD - N), (0, 0)))

    z128 = jnp.zeros((NPAD, D), jnp.float32)
    z16 = jnp.zeros((NPAD, 16), jnp.float32)
    ones = jnp.ones((CHUNK, 16), jnp.float32)

    cnt = _count_kernel(dst_p, z16, ones)
    acc1 = _agg_kernel(src_p, dst_p, x_p, z128)
    h = _combine(acc1, cnt, x_p, W1_l.T, W1_r.T, b1.reshape(1, D), relu=True)
    acc2 = _agg_kernel(src_p, dst_p, h, z128)
    out = _combine(acc2, cnt, h, W2_l.T, W2_r.T, b2.reshape(1, D), relu=False)
    return out[:N]

# --- scband reference (transcript-rebuilt; emitter-appended) ---
"""Pipeline reference for scband-gnn-60748017434668 (READ-ONLY COPY).

The authoritative reference and input builder live on the scoring server;
editing this copy changes nothing except your own understanding.
"""

import jax, jax.numpy as jnp
import numpy as np

N = 10000
E = 320000
D_IN = 128
D_HID = 128
D_OUT = 128


def setup_inputs(seed: int = 0) -> dict:
    key = jax.random.key(seed)
    ks = jax.random.split(key, 10)
    x = jax.random.normal(ks[0], (N, D_IN), dtype=jnp.float32)
    edge_index = jax.random.randint(ks[1], (2, E), 0, N, dtype=jnp.int32)
    s1 = 1.0 / np.sqrt(D_IN)
    s2 = 1.0 / np.sqrt(D_HID)
    # SAGEConv layer 1 params: lin_l (aggregated neighbors, with bias), lin_r (self, no bias)
    W1_l = jax.random.uniform(ks[2], (D_HID, D_IN), jnp.float32, -s1, s1)
    b1 = jnp.zeros((D_HID,), jnp.float32)
    W1_r = jax.random.uniform(ks[3], (D_HID, D_IN), jnp.float32, -s1, s1)
    # SAGEConv layer 2 params
    W2_l = jax.random.uniform(ks[4], (D_OUT, D_HID), jnp.float32, -s2, s2)
    b2 = jnp.zeros((D_OUT,), jnp.float32)
    W2_r = jax.random.uniform(ks[5], (D_OUT, D_HID), jnp.float32, -s2, s2)
    return {"x": x, "edge_index": edge_index, "W1_l": W1_l, "b1": b1, "W1_r": W1_r,
            "W2_l": W2_l, "b2": b2, "W2_r": W2_r}


def _sage_conv(x, edge_index, W_l, b_l, W_r):
    src = edge_index[0]
    dst = edge_index[1]
    msgs = jnp.take(x, src, axis=0)                      # gather: [E, d]
    sums = jax.ops.segment_sum(msgs, dst, num_segments=N)  # scatter-add: [N, d]
    ones = jnp.ones((msgs.shape[0], 1), dtype=x.dtype)
    cnt = jax.ops.segment_sum(ones, dst, num_segments=N)   # in-degree counts
    mean = sums / jnp.maximum(cnt, 1.0)                  # mean aggregation
    return mean @ W_l.T + b_l + x @ W_r.T


def reference(x, edge_index, W1_l, b1, W1_r, W2_l, b2, W2_r):
    h = _sage_conv(x, edge_index, W1_l, b1, W1_r)
    h = jax.nn.relu(h)
    out = _sage_conv(h, edge_index, W2_l, b2, W2_r)
    return out

if __name__ == "__main__":
    import jax
    _d = setup_inputs()
    print(jax.jit(kernel)(*tuple(_d.values())))

</pallas_src>

<mosaic_0001>
#map = affine_map<(d0, d1) -> (0, 0, 0, 0)>
#map1 = affine_map<(d0, d1) -> (0, 0)>
#map2 = affine_map<(d0, d1) -> (0, 0, 0)>
module attributes {stable_mosaic.version = 14 : i64} {
  func.func @_count_kernel(%arg0: i32, %arg1: i32, %arg2: memref<2x16x80x128xi32, #tpu.memory_space<hbm>>, %arg3: memref<10240x16xf32, #tpu.memory_space<hbm>>, %arg4: memref<128x16xf32, #tpu.memory_space<hbm>>, %arg5: memref<2x10240x16xf32, #tpu.memory_space<hbm>>, %arg6: memref<10240x16xf32, #tpu.memory_space<vmem_shared>>, %arg7: memref<80x128xi32, #tpu.memory_space<vmem>>, %arg8: memref<128x16xf32, #tpu.memory_space<vmem>>) attributes {dimension_semantics = [#tpu.dimension_semantics<core_parallel>, #tpu.dimension_semantics<subcore_parallel>], iteration_bounds = array<i64: 2, 16>, scalar_prefetch = 0 : i64, scratch_operands = 3 : i64, tpu.core_type = #tpu.core_type<sc_vector_subcore>, window_params = [{transform_indices = #map}, {transform_indices = #map1}, {transform_indices = #map1}, {transform_indices = #map2}]} {
    %mul3A = arith.constant 640 : i32
    %mul3A_0 = arith.muli %arg1, %mul3A : i32
    "tpu.region"() ({
      %run_scoped3A = tpu.sem_alloc : memref<!tpu.dma_semaphore, #tpu.memory_space<semaphore_mem>>
      %dma_start3A = arith.constant 0 : i32
      %dma_start3A_7 = tpu.memref_slice %arg6[%mul3A_0, %dma_start3A] : memref<10240x16xf32, #tpu.memory_space<vmem_shared>> -> memref<640x16xf32, #tpu.memory_space<vmem_shared>>
      %dma_start3A_8 = arith.constant 0 : i32
      %dma_start3A_9 = tpu.memref_slice %arg3[%mul3A_0, %dma_start3A_8] : memref<10240x16xf32, #tpu.memory_space<hbm>> -> memref<640x16xf32, #tpu.memory_space<hbm>>
      tpu.enqueue_dma source(%dma_start3A_9 : memref<640x16xf32, #tpu.memory_space<hbm>>) target(%dma_start3A_7 : memref<640x16xf32, #tpu.memory_space<vmem_shared>>) target_semaphore(%run_scoped3A : memref<!tpu.dma_semaphore, #tpu.memory_space<semaphore_mem>>)
      %dma_wait3A = arith.constant 0 : i32
      %dma_wait3A_10 = tpu.memref_slice %arg6[%mul3A_0, %dma_wait3A] : memref<10240x16xf32, #tpu.memory_space<vmem_shared>> -> memref<640x16xf32, #tpu.memory_space<vmem_shared>>
      %dma_wait3A_11 = arith.constant 0 : i32
      %dma_wait3A_12 = tpu.memref_slice %arg3[%mul3A_0, %dma_wait3A_11] : memref<10240x16xf32, #tpu.memory_space<hbm>> -> memref<640x16xf32, #tpu.memory_space<hbm>>
      tpu.wait_dma2 semaphore(%run_scoped3A : memref<!tpu.dma_semaphore, #tpu.memory_space<semaphore_mem>>) src(%dma_wait3A_12 : memref<640x16xf32, #tpu.memory_space<hbm>>) dst(%dma_wait3A_10 : memref<640x16xf32, #tpu.memory_space<vmem_shared>>)
      tpu.yield
    }) : () -> ()
    "tpu.region"() ({
      %run_scoped3A = tpu.sem_alloc : memref<!tpu.dma_semaphore, #tpu.memory_space<semaphore_mem>>
      tpu.enqueue_dma source(%arg4 : memref<128x16xf32, #tpu.memory_space<hbm>>) target(%arg8 : memref<128x16xf32, #tpu.memory_space<vmem>>) target_semaphore(%run_scoped3A : memref<!tpu.dma_semaphore, #tpu.memory_space<semaphore_mem>>)
      tpu.wait_dma2 semaphore(%run_scoped3A : memref<!tpu.dma_semaphore, #tpu.memory_space<semaphore_mem>>) src(%arg4 : memref<128x16xf32, #tpu.memory_space<hbm>>) dst(%arg8 : memref<128x16xf32, #tpu.memory_space<vmem>>)
      tpu.yield
    }) : () -> ()
    "tpu.region"() ({
      %run_scoped3A = tpu.sem_alloc : memref<!tpu.dma_semaphore, #tpu.memory_space<semaphore_mem>>
      %dma_start3A = arith.constant 0 : i32
      %dma_start3A_7 = arith.constant 0 : i32
      %dma_start3A_8 = tpu.memref_slice %arg2[%arg0, %arg1, %dma_start3A, %dma_start3A_7] : memref<2x16x80x128xi32, #tpu.memory_space<hbm>> -> memref<1x1x80x128xi32, #tpu.memory_space<hbm>>
      %dma_start3A_9 = tpu.memref_squeeze %dma_start3A_8 : memref<1x1x80x128xi32, #tpu.memory_space<hbm>> -> memref<80x128xi32, #tpu.memory_space<hbm>>
      %dma_start3A_10 = arith.constant 0 : i32
      %dma_start3A_11 = arith.constant 0 : i32
      %dma_start3A_12 = tpu.memref_slice %arg2[%arg0, %arg1, %dma_start3A_10, %dma_start3A_11] : memref<2x16x80x128xi32, #tpu.memory_space<hbm>> -> memref<1x1x80x128xi32, #tpu.memory_space<hbm>>
      %dma_start3A_13 = tpu.memref_squeeze %dma_start3A_12 : memref<1x1x80x128xi32, #tpu.memory_space<hbm>> -> memref<80x128xi32, #tpu.memory_space<hbm>>
      tpu.enqueue_dma source(%dma_start3A_13 : memref<80x128xi32, #tpu.memory_space<hbm>>) target(%arg7 : memref<80x128xi32, #tpu.memory_space<vmem>>) target_semaphore(%run_scoped3A : memref<!tpu.dma_semaphore, #tpu.memory_space<semaphore_mem>>)
      %dma_wait3A = arith.constant 0 : i32
      %dma_wait3A_14 = arith.constant 0 : i32
      %dma_wait3A_15 = tpu.memref_slice %arg2[%arg0, %arg1, %dma_wait3A, %dma_wait3A_14] : memref<2x16x80x128xi32, #tpu.memory_space<hbm>> -> memref<1x1x80x128xi32, #tpu.memory_space<hbm>>
      %dma_wait3A_16 = tpu.memref_squeeze %dma_wait3A_15 : memref<1x1x80x128xi32, #tpu.memory_space<hbm>> -> memref<80x128xi32, #tpu.memory_space<hbm>>
      %dma_wait3A_17 = arith.constant 0 : i32
      %dma_wait3A_18 = arith.constant 0 : i32
      %dma_wait3A_19 = tpu.memref_slice %arg2[%arg0, %arg1, %dma_wait3A_17, %dma_wait3A_18] : memref<2x16x80x128xi32, #tpu.memory_space<hbm>> -> memref<1x1x80x128xi32, #tpu.memory_space<hbm>>
      %dma_wait3A_20 = tpu.memref_squeeze %dma_wait3A_19 : memref<1x1x80x128xi32, #tpu.memory_space<hbm>> -> memref<80x128xi32, #tpu.memory_space<hbm>>
      tpu.wait_dma2 semaphore(%run_scoped3A : memref<!tpu.dma_semaphore, #tpu.memory_space<semaphore_mem>>) src(%dma_wait3A_20 : memref<80x128xi32, #tpu.memory_space<hbm>>) dst(%arg7 : memref<80x128xi32, #tpu.memory_space<vmem>>)
      tpu.yield
    }) : () -> ()
    %barrier3A = arith.constant 0 : index
    tpu.barrier barrier_id(%barrier3A)
    %scan3A = arith.constant 0 : i32
    %scan3A_1 = arith.constant 0 : i32
    %scan3A_2 = arith.constant 80 : i32
    %scan3A_3 = arith.addi %scan3A_1, %scan3A_2 : i32
    %scan3A_4 = arith.constant 1 : i32
    scf.for %scan3A_7 = %scan3A_1 to %scan3A_3 step %scan3A_4  : i32 {
      "tpu.region"() ({
        %run_scoped3A = tpu.sem_alloc : memref<!tpu.dma_semaphore, #tpu.memory_space<semaphore_mem>>
        %dma_start3A = arith.constant 0 : i32
        %dma_start3A_8 = tpu.memref_slice %arg7[%scan3A_7, %dma_start3A] : memref<80x128xi32, #tpu.memory_space<vmem>> -> memref<1x128xi32, #tpu.memory_space<vmem>>
        %dma_start3A_9 = tpu.memref_squeeze %dma_start3A_8 : memref<1x128xi32, #tpu.memory_space<vmem>> -> memref<128xi32, #tpu.memory_space<vmem>>
        %dma_start3A_10 = arith.constant 0 : i32
        %dma_start3A_11 = arith.constant 0 : i32
        %dma_start3A_12 = tpu.memref_slice %arg6[%dma_start3A_10, %dma_start3A_11] : memref<10240x16xf32, #tpu.memory_space<vmem_shared>> -> memref<10240x16xf32, #tpu.memory_space<vmem_shared>>
        tpu.enqueue_indirect_dma source(%arg8 : memref<128x16xf32, #tpu.memory_space<vmem>>) target(%dma_start3A_12 : memref<10240x16xf32, #tpu.memory_space<vmem_shared>>) offsets(%dma_start3A_9 : memref<128xi32, #tpu.memory_space<vmem>>) semaphore(%run_scoped3A : memref<!tpu.dma_semaphore, #tpu.memory_space<semaphore_mem>>) {add = true}
        %dma_wait3A = arith.constant 0 : i32
        %dma_wait3A_13 = tpu.memref_slice %arg7[%scan3A_7, %dma_wait3A] : memref<80x128xi32, #tpu.memory_space<vmem>> -> memref<1x128xi32, #tpu.memory_space<vmem>>
        %dma_wait3A_14 = tpu.memref_squeeze %dma_wait3A_13 : memref<1x128xi32, #tpu.memory_space<vmem>> -> memref<128xi32, #tpu.memory_space<vmem>>
        %dma_wait3A_15 = arith.constant 0 : i32
        %dma_wait3A_16 = arith.constant 0 : i32
        %dma_wait3A_17 = tpu.memref_slice %arg6[%dma_wait3A_15, %dma_wait3A_16] : memref<10240x16xf32, #tpu.memory_space<vmem_shared>> -> memref<10240x16xf32, #tpu.memory_space<vmem_shared>>
        tpu.wait_indirect_dma semaphore(%run_scoped3A : memref<!tpu.dma_semaphore, #tpu.memory_space<semaphore_mem>>) src(%arg8 : memref<128x16xf32, #tpu.memory_space<vmem>>) dst(%dma_wait3A_17 : memref<10240x16xf32, #tpu.memory_space<vmem_shared>>)
        tpu.yield
      }) : () -> ()
    }
    %scan3A_5 = arith.constant 80 : i32
    %barrier3A_6 = arith.constant 0 : index
    tpu.barrier barrier_id(%barrier3A_6)
    "tpu.region"() ({
      %run_scoped3A = tpu.sem_alloc : memref<!tpu.dma_semaphore, #tpu.memory_space<semaphore_mem>>
      %dma_start3A = arith.constant 0 : i32
      %dma_start3A_7 = tpu.memref_slice %arg5[%arg0, %mul3A_0, %dma_start3A] : memref<2x10240x16xf32, #tpu.memory_space<hbm>> -> memref<1x640x16xf32, #tpu.memory_space<hbm>>
      %dma_start3A_8 = tpu.memref_squeeze %dma_start3A_7 : memref<1x640x16xf32, #tpu.memory_space<hbm>> -> memref<640x16xf32, #tpu.memory_space<hbm>>
      %dma_start3A_9 = arith.constant 0 : i32
      %dma_start3A_10 = tpu.memref_slice %arg6[%mul3A_0, %dma_start3A_9] : memref<10240x16xf32, #tpu.memory_space<vmem_shared>> -> memref<640x16xf32, #tpu.memory_space<vmem_shared>>
      tpu.enqueue_dma source(%dma_start3A_10 : memref<640x16xf32, #tpu.memory_space<vmem_shared>>) target(%dma_start3A_8 : memref<640x16xf32, #tpu.memory_space<hbm>>) target_semaphore(%run_scoped3A : memref<!tpu.dma_semaphore, #tpu.memory_space<semaphore_mem>>)
      %dma_wait3A = arith.constant 0 : i32
      %dma_wait3A_11 = tpu.memref_slice %arg5[%arg0, %mul3A_0, %dma_wait3A] : memref<2x10240x16xf32, #tpu.memory_space<hbm>> -> memref<1x640x16xf32, #tpu.memory_space<hbm>>
      %dma_wait3A_12 = tpu.memref_squeeze %dma_wait3A_11 : memref<1x640x16xf32, #tpu.memory_space<hbm>> -> memref<640x16xf32, #tpu.memory_space<hbm>>
      %dma_wait3A_13 = arith.constant 0 : i32
      %dma_wait3A_14 = tpu.memref_slice %arg6[%mul3A_0, %dma_wait3A_13] : memref<10240x16xf32, #tpu.memory_space<vmem_shared>> -> memref<640x16xf32, #tpu.memory_space<vmem_shared>>
      tpu.wait_dma2 semaphore(%run_scoped3A : memref<!tpu.dma_semaphore, #tpu.memory_space<semaphore_mem>>) src(%dma_wait3A_14 : memref<640x16xf32, #tpu.memory_space<vmem_shared>>) dst(%dma_wait3A_12 : memref<640x16xf32, #tpu.memory_space<hbm>>)
      tpu.yield
    }) : () -> ()
    return
  }
}

#map = affine_map<(d0, d1) -> (0, 0, 0, 0)>
#map1 = affine_map<(d0, d1) -> (0, 0)>
#map2 = affine_map<(d0, d1) -> (0, 0, 0)>
module attributes {stable_mosaic.version = 14 : i64} {
  func.func @_agg_kernel(%arg0: i32, %arg1: i32, %arg2: memref<2x16x80x128xi32, #tpu.memory_space<hbm>>, %arg3: memref<2x16x80x128xi32, #tpu.memory_space<hbm>>, %arg4: memref<10240x128xf32, #tpu.memory_space<hbm>>, %arg5: memref<10240x128xf32, #tpu.memory_space<hbm>>, %arg6: memref<2x10240x128xf32, #tpu.memory_space<hbm>>, %arg7: memref<10240x128xf32, #tpu.memory_space<vmem_shared>>, %arg8: memref<80x128xi32, #tpu.memory_space<vmem>>, %arg9: memref<80x128xi32, #tpu.memory_space<vmem>>, %arg10: memref<128x128xf32, #tpu.memory_space<vmem>>, %arg11: memref<!tpu.dma_semaphore, #tpu.memory_space<semaphore_mem>>) attributes {dimension_semantics = [#tpu.dimension_semantics<core_parallel>, #tpu.dimension_semantics<subcore_parallel>], iteration_bounds = array<i64: 2, 16>, scalar_prefetch = 0 : i64, scratch_operands = 5 : i64, tpu.core_type = #tpu.core_type<sc_vector_subcore>, window_params = [{transform_indices = #map}, {transform_indices = #map}, {transform_indices = #map1}, {transform_indices = #map1}, {transform_indices = #map2}]} {
    %mul3A = arith.constant 640 : i32
    %mul3A_0 = arith.muli %arg1, %mul3A : i32
    "tpu.region"() ({
      %run_scoped3A = tpu.sem_alloc : memref<!tpu.dma_semaphore, #tpu.memory_space<semaphore_mem>>
      %dma_start3A = arith.constant 0 : i32
      %dma_start3A_7 = tpu.memref_slice %arg7[%mul3A_0, %dma_start3A] : memref<10240x128xf32, #tpu.memory_space<vmem_shared>> -> memref<640x128xf32, #tpu.memory_space<vmem_shared>>
      %dma_start3A_8 = arith.constant 0 : i32
      %dma_start3A_9 = tpu.memref_slice %arg5[%mul3A_0, %dma_start3A_8] : memref<10240x128xf32, #tpu.memory_space<hbm>> -> memref<640x128xf32, #tpu.memory_space<hbm>>
      tpu.enqueue_dma source(%dma_start3A_9 : memref<640x128xf32, #tpu.memory_space<hbm>>) target(%dma_start3A_7 : memref<640x128xf32, #tpu.memory_space<vmem_shared>>) target_semaphore(%run_scoped3A : memref<!tpu.dma_semaphore, #tpu.memory_space<semaphore_mem>>)
      %dma_wait3A = arith.constant 0 : i32
      %dma_wait3A_10 = tpu.memref_slice %arg7[%mul3A_0, %dma_wait3A] : memref<10240x128xf32, #tpu.memory_space<vmem_shared>> -> memref<640x128xf32, #tpu.memory_space<vmem_shared>>
      %dma_wait3A_11 = arith.constant 0 : i32
      %dma_wait3A_12 = tpu.memref_slice %arg5[%mul3A_0, %dma_wait3A_11] : memref<10240x128xf32, #tpu.memory_space<hbm>> -> memref<640x128xf32, #tpu.memory_space<hbm>>
      tpu.wait_dma2 semaphore(%run_scoped3A : memref<!tpu.dma_semaphore, #tpu.memory_space<semaphore_mem>>) src(%dma_wait3A_12 : memref<640x128xf32, #tpu.memory_space<hbm>>) dst(%dma_wait3A_10 : memref<640x128xf32, #tpu.memory_space<vmem_shared>>)
      tpu.yield
    }) : () -> ()
    "tpu.region"() ({
      %run_scoped3A = tpu.sem_alloc : memref<!tpu.dma_semaphore, #tpu.memory_space<semaphore_mem>>
      %dma_start3A = arith.constant 0 : i32
      %dma_start3A_7 = arith.constant 0 : i32
      %dma_start3A_8 = tpu.memref_slice %arg2[%arg0, %arg1, %dma_start3A, %dma_start3A_7] : memref<2x16x80x128xi32, #tpu.memory_space<hbm>> -> memref<1x1x80x128xi32, #tpu.memory_space<hbm>>
      %dma_start3A_9 = tpu.memref_squeeze %dma_start3A_8 : memref<1x1x80x128xi32, #tpu.memory_space<hbm>> -> memref<80x128xi32, #tpu.memory_space<hbm>>
      %dma_start3A_10 = arith.constant 0 : i32
      %dma_start3A_11 = arith.constant 0 : i32
      %dma_start3A_12 = tpu.memref_slice %arg2[%arg0, %arg1, %dma_start3A_10, %dma_start3A_11] : memref<2x16x80x128xi32, #tpu.memory_space<hbm>> -> memref<1x1x80x128xi32, #tpu.memory_space<hbm>>
      %dma_start3A_13 = tpu.memref_squeeze %dma_start3A_12 : memref<1x1x80x128xi32, #tpu.memory_space<hbm>> -> memref<80x128xi32, #tpu.memory_space<hbm>>
      tpu.enqueue_dma source(%dma_start3A_13 : memref<80x128xi32, #tpu.memory_space<hbm>>) target(%arg8 : memref<80x128xi32, #tpu.memory_space<vmem>>) target_semaphore(%run_scoped3A : memref<!tpu.dma_semaphore, #tpu.memory_space<semaphore_mem>>)
      %dma_wait3A = arith.constant 0 : i32
      %dma_wait3A_14 = arith.constant 0 : i32
      %dma_wait3A_15 = tpu.memref_slice %arg2[%arg0, %arg1, %dma_wait3A, %dma_wait3A_14] : memref<2x16x80x128xi32, #tpu.memory_space<hbm>> -> memref<1x1x80x128xi32, #tpu.memory_space<hbm>>
      %dma_wait3A_16 = tpu.memref_squeeze %dma_wait3A_15 : memref<1x1x80x128xi32, #tpu.memory_space<hbm>> -> memref<80x128xi32, #tpu.memory_space<hbm>>
      %dma_wait3A_17 = arith.constant 0 : i32
      %dma_wait3A_18 = arith.constant 0 : i32
      %dma_wait3A_19 = tpu.memref_slice %arg2[%arg0, %arg1, %dma_wait3A_17, %dma_wait3A_18] : memref<2x16x80x128xi32, #tpu.memory_space<hbm>> -> memref<1x1x80x128xi32, #tpu.memory_space<hbm>>
      %dma_wait3A_20 = tpu.memref_squeeze %dma_wait3A_19 : memref<1x1x80x128xi32, #tpu.memory_space<hbm>> -> memref<80x128xi32, #tpu.memory_space<hbm>>
      tpu.wait_dma2 semaphore(%run_scoped3A : memref<!tpu.dma_semaphore, #tpu.memory_space<semaphore_mem>>) src(%dma_wait3A_20 : memref<80x128xi32, #tpu.memory_space<hbm>>) dst(%arg8 : memref<80x128xi32, #tpu.memory_space<vmem>>)
      tpu.yield
    }) : () -> ()
    "tpu.region"() ({
      %run_scoped3A = tpu.sem_alloc : memref<!tpu.dma_semaphore, #tpu.memory_space<semaphore_mem>>
      %dma_start3A = arith.constant 0 : i32
      %dma_start3A_7 = arith.constant 0 : i32
      %dma_start3A_8 = tpu.memref_slice %arg3[%arg0, %arg1, %dma_start3A, %dma_start3A_7] : memref<2x16x80x128xi32, #tpu.memory_space<hbm>> -> memref<1x1x80x128xi32, #tpu.memory_space<hbm>>
      %dma_start3A_9 = tpu.memref_squeeze %dma_start3A_8 : memref<1x1x80x128xi32, #tpu.memory_space<hbm>> -> memref<80x128xi32, #tpu.memory_space<hbm>>
      %dma_start3A_10 = arith.constant 0 : i32
      %dma_start3A_11 = arith.constant 0 : i32
      %dma_start3A_12 = tpu.memref_slice %arg3[%arg0, %arg1, %dma_start3A_10, %dma_start3A_11] : memref<2x16x80x128xi32, #tpu.memory_space<hbm>> -> memref<1x1x80x128xi32, #tpu.memory_space<hbm>>
      %dma_start3A_13 = tpu.memref_squeeze %dma_start3A_12 : memref<1x1x80x128xi32, #tpu.memory_space<hbm>> -> memref<80x128xi32, #tpu.memory_space<hbm>>
      tpu.enqueue_dma source(%dma_start3A_13 : memref<80x128xi32, #tpu.memory_space<hbm>>) target(%arg9 : memref<80x128xi32, #tpu.memory_space<vmem>>) target_semaphore(%run_scoped3A : memref<!tpu.dma_semaphore, #tpu.memory_space<semaphore_mem>>)
      %dma_wait3A = arith.constant 0 : i32
      %dma_wait3A_14 = arith.constant 0 : i32
      %dma_wait3A_15 = tpu.memref_slice %arg3[%arg0, %arg1, %dma_wait3A, %dma_wait3A_14] : memref<2x16x80x128xi32, #tpu.memory_space<hbm>> -> memref<1x1x80x128xi32, #tpu.memory_space<hbm>>
      %dma_wait3A_16 = tpu.memref_squeeze %dma_wait3A_15 : memref<1x1x80x128xi32, #tpu.memory_space<hbm>> -> memref<80x128xi32, #tpu.memory_space<hbm>>
      %dma_wait3A_17 = arith.constant 0 : i32
      %dma_wait3A_18 = arith.constant 0 : i32
      %dma_wait3A_19 = tpu.memref_slice %arg3[%arg0, %arg1, %dma_wait3A_17, %dma_wait3A_18] : memref<2x16x80x128xi32, #tpu.memory_space<hbm>> -> memref<1x1x80x128xi32, #tpu.memory_space<hbm>>
      %dma_wait3A_20 = tpu.memref_squeeze %dma_wait3A_19 : memref<1x1x80x128xi32, #tpu.memory_space<hbm>> -> memref<80x128xi32, #tpu.memory_space<hbm>>
      tpu.wait_dma2 semaphore(%run_scoped3A : memref<!tpu.dma_semaphore, #tpu.memory_space<semaphore_mem>>) src(%dma_wait3A_20 : memref<80x128xi32, #tpu.memory_space<hbm>>) dst(%arg9 : memref<80x128xi32, #tpu.memory_space<vmem>>)
      tpu.yield
    }) : () -> ()
    %barrier3A = arith.constant 0 : index
    tpu.barrier barrier_id(%barrier3A)
    %scan3A = arith.constant 0 : i32
    %scan3A_1 = arith.constant 0 : i32
    %scan3A_2 = arith.constant 80 : i32
    %scan3A_3 = arith.addi %scan3A_1, %scan3A_2 : i32
    %scan3A_4 = arith.constant 1 : i32
    scf.for %scan3A_7 = %scan3A_1 to %scan3A_3 step %scan3A_4  : i32 {
      %dma_start3A = arith.constant 0 : i32
      %dma_start3A_8 = tpu.memref_slice %arg8[%scan3A_7, %dma_start3A] : memref<80x128xi32, #tpu.memory_space<vmem>> -> memref<1x128xi32, #tpu.memory_space<vmem>>
      %dma_start3A_9 = tpu.memref_squeeze %dma_start3A_8 : memref<1x128xi32, #tpu.memory_space<vmem>> -> memref<128xi32, #tpu.memory_space<vmem>>
      %dma_start3A_10 = arith.constant 0 : i32
      %dma_start3A_11 = arith.constant 0 : i32
      %dma_start3A_12 = tpu.memref_slice %arg4[%dma_start3A_10, %dma_start3A_11] : memref<10240x128xf32, #tpu.memory_space<hbm>> -> memref<10240x128xf32, #tpu.memory_space<hbm>>
      tpu.enqueue_indirect_dma source(%dma_start3A_12 : memref<10240x128xf32, #tpu.memory_space<hbm>>) target(%arg10 : memref<128x128xf32, #tpu.memory_space<vmem>>) offsets(%dma_start3A_9 : memref<128xi32, #tpu.memory_space<vmem>>) semaphore(%arg11 : memref<!tpu.dma_semaphore, #tpu.memory_space<semaphore_mem>>)
      %dma_wait3A = arith.constant 0 : i32
      %dma_wait3A_13 = tpu.memref_slice %arg8[%scan3A_7, %dma_wait3A] : memref<80x128xi32, #tpu.memory_space<vmem>> -> memref<1x128xi32, #tpu.memory_space<vmem>>
      %dma_wait3A_14 = tpu.memref_squeeze %dma_wait3A_13 : memref<1x128xi32, #tpu.memory_space<vmem>> -> memref<128xi32, #tpu.memory_space<vmem>>
      %dma_wait3A_15 = arith.constant 0 : i32
      %dma_wait3A_16 = arith.constant 0 : i32
      %dma_wait3A_17 = tpu.memref_slice %arg4[%dma_wait3A_15, %dma_wait3A_16] : memref<10240x128xf32, #tpu.memory_space<hbm>> -> memref<10240x128xf32, #tpu.memory_space<hbm>>
      tpu.wait_indirect_dma semaphore(%arg11 : memref<!tpu.dma_semaphore, #tpu.memory_space<semaphore_mem>>) src(%dma_wait3A_17 : memref<10240x128xf32, #tpu.memory_space<hbm>>) dst(%arg10 : memref<128x128xf32, #tpu.memory_space<vmem>>)
      "tpu.region"() ({
        %run_scoped3A = tpu.sem_alloc : memref<!tpu.dma_semaphore, #tpu.memory_space<semaphore_mem>>
        %dma_start3A_18 = arith.constant 0 : i32
        %dma_start3A_19 = tpu.memref_slice %arg9[%scan3A_7, %dma_start3A_18] : memref<80x128xi32, #tpu.memory_space<vmem>> -> memref<1x128xi32, #tpu.memory_space<vmem>>
        %dma_start3A_20 = tpu.memref_squeeze %dma_start3A_19 : memref<1x128xi32, #tpu.memory_space<vmem>> -> memref<128xi32, #tpu.memory_space<vmem>>
        %dma_start3A_21 = arith.constant 0 : i32
        %dma_start3A_22 = arith.constant 0 : i32
        %dma_start3A_23 = tpu.memref_slice %arg7[%dma_start3A_21, %dma_start3A_22] : memref<10240x128xf32, #tpu.memory_space<vmem_shared>> -> memref<10240x128xf32, #tpu.memory_space<vmem_shared>>
        tpu.enqueue_indirect_dma source(%arg10 : memref<128x128xf32, #tpu.memory_space<vmem>>) target(%dma_start3A_23 : memref<10240x128xf32, #tpu.memory_space<vmem_shared>>) offsets(%dma_start3A_20 : memref<128xi32, #tpu.memory_space<vmem>>) semaphore(%run_scoped3A : memref<!tpu.dma_semaphore, #tpu.memory_space<semaphore_mem>>) {add = true}
        %dma_wait3A_24 = arith.constant 0 : i32
        %dma_wait3A_25 = tpu.memref_slice %arg9[%scan3A_7, %dma_wait3A_24] : memref<80x128xi32, #tpu.memory_space<vmem>> -> memref<1x128xi32, #tpu.memory_space<vmem>>
        %dma_wait3A_26 = tpu.memref_squeeze %dma_wait3A_25 : memref<1x128xi32, #tpu.memory_space<vmem>> -> memref<128xi32, #tpu.memory_space<vmem>>
        %dma_wait3A_27 = arith.constant 0 : i32
        %dma_wait3A_28 = arith.constant 0 : i32
        %dma_wait3A_29 = tpu.memref_slice %arg7[%dma_wait3A_27, %dma_wait3A_28] : memref<10240x128xf32, #tpu.memory_space<vmem_shared>> -> memref<10240x128xf32, #tpu.memory_space<vmem_shared>>
        tpu.wait_indirect_dma semaphore(%run_scoped3A : memref<!tpu.dma_semaphore, #tpu.memory_space<semaphore_mem>>) src(%arg10 : memref<128x128xf32, #tpu.memory_space<vmem>>) dst(%dma_wait3A_29 : memref<10240x128xf32, #tpu.memory_space<vmem_shared>>)
        tpu.yield
      }) : () -> ()
    }
    %scan3A_5 = arith.constant 80 : i32
    %barrier3A_6 = arith.constant 0 : index
    tpu.barrier barrier_id(%barrier3A_6)
    "tpu.region"() ({
      %run_scoped3A = tpu.sem_alloc : memref<!tpu.dma_semaphore, #tpu.memory_space<semaphore_mem>>
      %dma_start3A = arith.constant 0 : i32
      %dma_start3A_7 = tpu.memref_slice %arg6[%arg0, %mul3A_0, %dma_start3A] : memref<2x10240x128xf32, #tpu.memory_space<hbm>> -> memref<1x640x128xf32, #tpu.memory_space<hbm>>
      %dma_start3A_8 = tpu.memref_squeeze %dma_start3A_7 : memref<1x640x128xf32, #tpu.memory_space<hbm>> -> memref<640x128xf32, #tpu.memory_space<hbm>>
      %dma_start3A_9 = arith.constant 0 : i32
      %dma_start3A_10 = tpu.memref_slice %arg7[%mul3A_0, %dma_start3A_9] : memref<10240x128xf32, #tpu.memory_space<vmem_shared>> -> memref<640x128xf32, #tpu.memory_space<vmem_shared>>
      tpu.enqueue_dma source(%dma_start3A_10 : memref<640x128xf32, #tpu.memory_space<vmem_shared>>) target(%dma_start3A_8 : memref<640x128xf32, #tpu.memory_space<hbm>>) target_semaphore(%run_scoped3A : memref<!tpu.dma_semaphore, #tpu.memory_space<semaphore_mem>>)
      %dma_wait3A = arith.constant 0 : i32
      %dma_wait3A_11 = tpu.memref_slice %arg6[%arg0, %mul3A_0, %dma_wait3A] : memref<2x10240x128xf32, #tpu.memory_space<hbm>> -> memref<1x640x128xf32, #tpu.memory_space<hbm>>
      %dma_wait3A_12 = tpu.memref_squeeze %dma_wait3A_11 : memref<1x640x128xf32, #tpu.memory_space<hbm>> -> memref<640x128xf32, #tpu.memory_space<hbm>>
      %dma_wait3A_13 = arith.constant 0 : i32
      %dma_wait3A_14 = tpu.memref_slice %arg7[%mul3A_0, %dma_wait3A_13] : memref<10240x128xf32, #tpu.memory_space<vmem_shared>> -> memref<640x128xf32, #tpu.memory_space<vmem_shared>>
      tpu.wait_dma2 semaphore(%run_scoped3A : memref<!tpu.dma_semaphore, #tpu.memory_space<semaphore_mem>>) src(%dma_wait3A_14 : memref<640x128xf32, #tpu.memory_space<vmem_shared>>) dst(%dma_wait3A_12 : memref<640x128xf32, #tpu.memory_space<hbm>>)
      tpu.yield
    }) : () -> ()
    return
  }
}

#map = affine_map<(d0, d1) -> (0, 0, 0, 0)>
#map1 = affine_map<(d0, d1) -> (0, 0)>
#map2 = affine_map<(d0, d1) -> (0, 0, 0)>
module attributes {stable_mosaic.version = 14 : i64} {
  func.func @_agg_kernel(%arg0: i32, %arg1: i32, %arg2: memref<2x16x80x128xi32, #tpu.memory_space<hbm>>, %arg3: memref<2x16x80x128xi32, #tpu.memory_space<hbm>>, %arg4: memref<10240x128xf32, #tpu.memory_space<hbm>>, %arg5: memref<10240x128xf32, #tpu.memory_space<hbm>>, %arg6: memref<2x10240x128xf32, #tpu.memory_space<hbm>>, %arg7: memref<10240x128xf32, #tpu.memory_space<vmem_shared>>, %arg8: memref<80x128xi32, #tpu.memory_space<vmem>>, %arg9: memref<80x128xi32, #tpu.memory_space<vmem>>, %arg10: memref<128x128xf32, #tpu.memory_space<vmem>>, %arg11: memref<!tpu.dma_semaphore, #tpu.memory_space<semaphore_mem>>) attributes {dimension_semantics = [#tpu.dimension_semantics<core_parallel>, #tpu.dimension_semantics<subcore_parallel>], iteration_bounds = array<i64: 2, 16>, scalar_prefetch = 0 : i64, scratch_operands = 5 : i64, tpu.core_type = #tpu.core_type<sc_vector_subcore>, window_params = [{transform_indices = #map}, {transform_indices = #map}, {transform_indices = #map1}, {transform_indices = #map1}, {transform_indices = #map2}]} {
    %mul3A = arith.constant 640 : i32
    %mul3A_0 = arith.muli %arg1, %mul3A : i32
    "tpu.region"() ({
      %run_scoped3A = tpu.sem_alloc : memref<!tpu.dma_semaphore, #tpu.memory_space<semaphore_mem>>
      %dma_start3A = arith.constant 0 : i32
      %dma_start3A_7 = tpu.memref_slice %arg7[%mul3A_0, %dma_start3A] : memref<10240x128xf32, #tpu.memory_space<vmem_shared>> -> memref<640x128xf32, #tpu.memory_space<vmem_shared>>
      %dma_start3A_8 = arith.constant 0 : i32
      %dma_start3A_9 = tpu.memref_slice %arg5[%mul3A_0, %dma_start3A_8] : memref<10240x128xf32, #tpu.memory_space<hbm>> -> memref<640x128xf32, #tpu.memory_space<hbm>>
      tpu.enqueue_dma source(%dma_start3A_9 : memref<640x128xf32, #tpu.memory_space<hbm>>) target(%dma_start3A_7 : memref<640x128xf32, #tpu.memory_space<vmem_shared>>) target_semaphore(%run_scoped3A : memref<!tpu.dma_semaphore, #tpu.memory_space<semaphore_mem>>)
      %dma_wait3A = arith.constant 0 : i32
      %dma_wait3A_10 = tpu.memref_slice %arg7[%mul3A_0, %dma_wait3A] : memref<10240x128xf32, #tpu.memory_space<vmem_shared>> -> memref<640x128xf32, #tpu.memory_space<vmem_shared>>
      %dma_wait3A_11 = arith.constant 0 : i32
      %dma_wait3A_12 = tpu.memref_slice %arg5[%mul3A_0, %dma_wait3A_11] : memref<10240x128xf32, #tpu.memory_space<hbm>> -> memref<640x128xf32, #tpu.memory_space<hbm>>
      tpu.wait_dma2 semaphore(%run_scoped3A : memref<!tpu.dma_semaphore, #tpu.memory_space<semaphore_mem>>) src(%dma_wait3A_12 : memref<640x128xf32, #tpu.memory_space<hbm>>) dst(%dma_wait3A_10 : memref<640x128xf32, #tpu.memory_space<vmem_shared>>)
      tpu.yield
    }) : () -> ()
    "tpu.region"() ({
      %run_scoped3A = tpu.sem_alloc : memref<!tpu.dma_semaphore, #tpu.memory_space<semaphore_mem>>
      %dma_start3A = arith.constant 0 : i32
      %dma_start3A_7 = arith.constant 0 : i32
      %dma_start3A_8 = tpu.memref_slice %arg2[%arg0, %arg1, %dma_start3A, %dma_start3A_7] : memref<2x16x80x128xi32, #tpu.memory_space<hbm>> -> memref<1x1x80x128xi32, #tpu.memory_space<hbm>>
      %dma_start3A_9 = tpu.memref_squeeze %dma_start3A_8 : memref<1x1x80x128xi32, #tpu.memory_space<hbm>> -> memref<80x128xi32, #tpu.memory_space<hbm>>
      %dma_start3A_10 = arith.constant 0 : i32
      %dma_start3A_11 = arith.constant 0 : i32
      %dma_start3A_12 = tpu.memref_slice %arg2[%arg0, %arg1, %dma_start3A_10, %dma_start3A_11] : memref<2x16x80x128xi32, #tpu.memory_space<hbm>> -> memref<1x1x80x128xi32, #tpu.memory_space<hbm>>
      %dma_start3A_13 = tpu.memref_squeeze %dma_start3A_12 : memref<1x1x80x128xi32, #tpu.memory_space<hbm>> -> memref<80x128xi32, #tpu.memory_space<hbm>>
      tpu.enqueue_dma source(%dma_start3A_13 : memref<80x128xi32, #tpu.memory_space<hbm>>) target(%arg8 : memref<80x128xi32, #tpu.memory_space<vmem>>) target_semaphore(%run_scoped3A : memref<!tpu.dma_semaphore, #tpu.memory_space<semaphore_mem>>)
      %dma_wait3A = arith.constant 0 : i32
      %dma_wait3A_14 = arith.constant 0 : i32
      %dma_wait3A_15 = tpu.memref_slice %arg2[%arg0, %arg1, %dma_wait3A, %dma_wait3A_14] : memref<2x16x80x128xi32, #tpu.memory_space<hbm>> -> memref<1x1x80x128xi32, #tpu.memory_space<hbm>>
      %dma_wait3A_16 = tpu.memref_squeeze %dma_wait3A_15 : memref<1x1x80x128xi32, #tpu.memory_space<hbm>> -> memref<80x128xi32, #tpu.memory_space<hbm>>
      %dma_wait3A_17 = arith.constant 0 : i32
      %dma_wait3A_18 = arith.constant 0 : i32
      %dma_wait3A_19 = tpu.memref_slice %arg2[%arg0, %arg1, %dma_wait3A_17, %dma_wait3A_18] : memref<2x16x80x128xi32, #tpu.memory_space<hbm>> -> memref<1x1x80x128xi32, #tpu.memory_space<hbm>>
      %dma_wait3A_20 = tpu.memref_squeeze %dma_wait3A_19 : memref<1x1x80x128xi32, #tpu.memory_space<hbm>> -> memref<80x128xi32, #tpu.memory_space<hbm>>
      tpu.wait_dma2 semaphore(%run_scoped3A : memref<!tpu.dma_semaphore, #tpu.memory_space<semaphore_mem>>) src(%dma_wait3A_20 : memref<80x128xi32, #tpu.memory_space<hbm>>) dst(%arg8 : memref<80x128xi32, #tpu.memory_space<vmem>>)
      tpu.yield
    }) : () -> ()
    "tpu.region"() ({
      %run_scoped3A = tpu.sem_alloc : memref<!tpu.dma_semaphore, #tpu.memory_space<semaphore_mem>>
      %dma_start3A = arith.constant 0 : i32
      %dma_start3A_7 = arith.constant 0 : i32
      %dma_start3A_8 = tpu.memref_slice %arg3[%arg0, %arg1, %dma_start3A, %dma_start3A_7] : memref<2x16x80x128xi32, #tpu.memory_space<hbm>> -> memref<1x1x80x128xi32, #tpu.memory_space<hbm>>
      %dma_start3A_9 = tpu.memref_squeeze %dma_start3A_8 : memref<1x1x80x128xi32, #tpu.memory_space<hbm>> -> memref<80x128xi32, #tpu.memory_space<hbm>>
      %dma_start3A_10 = arith.constant 0 : i32
      %dma_start3A_11 = arith.constant 0 : i32
      %dma_start3A_12 = tpu.memref_slice %arg3[%arg0, %arg1, %dma_start3A_10, %dma_start3A_11] : memref<2x16x80x128xi32, #tpu.memory_space<hbm>> -> memref<1x1x80x128xi32, #tpu.memory_space<hbm>>
      %dma_start3A_13 = tpu.memref_squeeze %dma_start3A_12 : memref<1x1x80x128xi32, #tpu.memory_space<hbm>> -> memref<80x128xi32, #tpu.memory_space<hbm>>
      tpu.enqueue_dma source(%dma_start3A_13 : memref<80x128xi32, #tpu.memory_space<hbm>>) target(%arg9 : memref<80x128xi32, #tpu.memory_space<vmem>>) target_semaphore(%run_scoped3A : memref<!tpu.dma_semaphore, #tpu.memory_space<semaphore_mem>>)
      %dma_wait3A = arith.constant 0 : i32
      %dma_wait3A_14 = arith.constant 0 : i32
      %dma_wait3A_15 = tpu.memref_slice %arg3[%arg0, %arg1, %dma_wait3A, %dma_wait3A_14] : memref<2x16x80x128xi32, #tpu.memory_space<hbm>> -> memref<1x1x80x128xi32, #tpu.memory_space<hbm>>
      %dma_wait3A_16 = tpu.memref_squeeze %dma_wait3A_15 : memref<1x1x80x128xi32, #tpu.memory_space<hbm>> -> memref<80x128xi32, #tpu.memory_space<hbm>>
      %dma_wait3A_17 = arith.constant 0 : i32
      %dma_wait3A_18 = arith.constant 0 : i32
      %dma_wait3A_19 = tpu.memref_slice %arg3[%arg0, %arg1, %dma_wait3A_17, %dma_wait3A_18] : memref<2x16x80x128xi32, #tpu.memory_space<hbm>> -> memref<1x1x80x128xi32, #tpu.memory_space<hbm>>
      %dma_wait3A_20 = tpu.memref_squeeze %dma_wait3A_19 : memref<1x1x80x128xi32, #tpu.memory_space<hbm>> -> memref<80x128xi32, #tpu.memory_space<hbm>>
      tpu.wait_dma2 semaphore(%run_scoped3A : memref<!tpu.dma_semaphore, #tpu.memory_space<semaphore_mem>>) src(%dma_wait3A_20 : memref<80x128xi32, #tpu.memory_space<hbm>>) dst(%arg9 : memref<80x128xi32, #tpu.memory_space<vmem>>)
      tpu.yield
    }) : () -> ()
    %barrier3A = arith.constant 0 : index
    tpu.barrier barrier_id(%barrier3A)
    %scan3A = arith.constant 0 : i32
    %scan3A_1 = arith.constant 0 : i32
    %scan3A_2 = arith.constant 80 : i32
    %scan3A_3 = arith.addi %scan3A_1, %scan3A_2 : i32
    %scan3A_4 = arith.constant 1 : i32
    scf.for %scan3A_7 = %scan3A_1 to %scan3A_3 step %scan3A_4  : i32 {
      %dma_start3A = arith.constant 0 : i32
      %dma_start3A_8 = tpu.memref_slice %arg8[%scan3A_7, %dma_start3A] : memref<80x128xi32, #tpu.memory_space<vmem>> -> memref<1x128xi32, #tpu.memory_space<vmem>>
      %dma_start3A_9 = tpu.memref_squeeze %dma_start3A_8 : memref<1x128xi32, #tpu.memory_space<vmem>> -> memref<128xi32, #tpu.memory_space<vmem>>
      %dma_start3A_10 = arith.constant 0 : i32
      %dma_start3A_11 = arith.constant 0 : i32
      %dma_start3A_12 = tpu.memref_slice %arg4[%dma_start3A_10, %dma_start3A_11] : memref<10240x128xf32, #tpu.memory_space<hbm>> -> memref<10240x128xf32, #tpu.memory_space<hbm>>
      tpu.enqueue_indirect_dma source(%dma_start3A_12 : memref<10240x128xf32, #tpu.memory_space<hbm>>) target(%arg10 : memref<128x128xf32, #tpu.memory_space<vmem>>) offsets(%dma_start3A_9 : memref<128xi32, #tpu.memory_space<vmem>>) semaphore(%arg11 : memref<!tpu.dma_semaphore, #tpu.memory_space<semaphore_mem>>)
      %dma_wait3A = arith.constant 0 : i32
      %dma_wait3A_13 = tpu.memref_slice %arg8[%scan3A_7, %dma_wait3A] : memref<80x128xi32, #tpu.memory_space<vmem>> -> memref<1x128xi32, #tpu.memory_space<vmem>>
      %dma_wait3A_14 = tpu.memref_squeeze %dma_wait3A_13 : memref<1x128xi32, #tpu.memory_space<vmem>> -> memref<128xi32, #tpu.memory_space<vmem>>
      %dma_wait3A_15 = arith.constant 0 : i32
      %dma_wait3A_16 = arith.constant 0 : i32
      %dma_wait3A_17 = tpu.memref_slice %arg4[%dma_wait3A_15, %dma_wait3A_16] : memref<10240x128xf32, #tpu.memory_space<hbm>> -> memref<10240x128xf32, #tpu.memory_space<hbm>>
      tpu.wait_indirect_dma semaphore(%arg11 : memref<!tpu.dma_semaphore, #tpu.memory_space<semaphore_mem>>) src(%dma_wait3A_17 : memref<10240x128xf32, #tpu.memory_space<hbm>>) dst(%arg10 : memref<128x128xf32, #tpu.memory_space<vmem>>)
      "tpu.region"() ({
        %run_scoped3A = tpu.sem_alloc : memref<!tpu.dma_semaphore, #tpu.memory_space<semaphore_mem>>
        %dma_start3A_18 = arith.constant 0 : i32
        %dma_start3A_19 = tpu.memref_slice %arg9[%scan3A_7, %dma_start3A_18] : memref<80x128xi32, #tpu.memory_space<vmem>> -> memref<1x128xi32, #tpu.memory_space<vmem>>
        %dma_start3A_20 = tpu.memref_squeeze %dma_start3A_19 : memref<1x128xi32, #tpu.memory_space<vmem>> -> memref<128xi32, #tpu.memory_space<vmem>>
        %dma_start3A_21 = arith.constant 0 : i32
        %dma_start3A_22 = arith.constant 0 : i32
        %dma_start3A_23 = tpu.memref_slice %arg7[%dma_start3A_21, %dma_start3A_22] : memref<10240x128xf32, #tpu.memory_space<vmem_shared>> -> memref<10240x128xf32, #tpu.memory_space<vmem_shared>>
        tpu.enqueue_indirect_dma source(%arg10 : memref<128x128xf32, #tpu.memory_space<vmem>>) target(%dma_start3A_23 : memref<10240x128xf32, #tpu.memory_space<vmem_shared>>) offsets(%dma_start3A_20 : memref<128xi32, #tpu.memory_space<vmem>>) semaphore(%run_scoped3A : memref<!tpu.dma_semaphore, #tpu.memory_space<semaphore_mem>>) {add = true}
        %dma_wait3A_24 = arith.constant 0 : i32
        %dma_wait3A_25 = tpu.memref_slice %arg9[%scan3A_7, %dma_wait3A_24] : memref<80x128xi32, #tpu.memory_space<vmem>> -> memref<1x128xi32, #tpu.memory_space<vmem>>
        %dma_wait3A_26 = tpu.memref_squeeze %dma_wait3A_25 : memref<1x128xi32, #tpu.memory_space<vmem>> -> memref<128xi32, #tpu.memory_space<vmem>>
        %dma_wait3A_27 = arith.constant 0 : i32
        %dma_wait3A_28 = arith.constant 0 : i32
        %dma_wait3A_29 = tpu.memref_slice %arg7[%dma_wait3A_27, %dma_wait3A_28] : memref<10240x128xf32, #tpu.memory_space<vmem_shared>> -> memref<10240x128xf32, #tpu.memory_space<vmem_shared>>
        tpu.wait_indirect_dma semaphore(%run_scoped3A : memref<!tpu.dma_semaphore, #tpu.memory_space<semaphore_mem>>) src(%arg10 : memref<128x128xf32, #tpu.memory_space<vmem>>) dst(%dma_wait3A_29 : memref<10240x128xf32, #tpu.memory_space<vmem_shared>>)
        tpu.yield
      }) : () -> ()
    }
    %scan3A_5 = arith.constant 80 : i32
    %barrier3A_6 = arith.constant 0 : index
    tpu.barrier barrier_id(%barrier3A_6)
    "tpu.region"() ({
      %run_scoped3A = tpu.sem_alloc : memref<!tpu.dma_semaphore, #tpu.memory_space<semaphore_mem>>
      %dma_start3A = arith.constant 0 : i32
      %dma_start3A_7 = tpu.memref_slice %arg6[%arg0, %mul3A_0, %dma_start3A] : memref<2x10240x128xf32, #tpu.memory_space<hbm>> -> memref<1x640x128xf32, #tpu.memory_space<hbm>>
      %dma_start3A_8 = tpu.memref_squeeze %dma_start3A_7 : memref<1x640x128xf32, #tpu.memory_space<hbm>> -> memref<640x128xf32, #tpu.memory_space<hbm>>
      %dma_start3A_9 = arith.constant 0 : i32
      %dma_start3A_10 = tpu.memref_slice %arg7[%mul3A_0, %dma_start3A_9] : memref<10240x128xf32, #tpu.memory_space<vmem_shared>> -> memref<640x128xf32, #tpu.memory_space<vmem_shared>>
      tpu.enqueue_dma source(%dma_start3A_10 : memref<640x128xf32, #tpu.memory_space<vmem_shared>>) target(%dma_start3A_8 : memref<640x128xf32, #tpu.memory_space<hbm>>) target_semaphore(%run_scoped3A : memref<!tpu.dma_semaphore, #tpu.memory_space<semaphore_mem>>)
      %dma_wait3A = arith.constant 0 : i32
      %dma_wait3A_11 = tpu.memref_slice %arg6[%arg0, %mul3A_0, %dma_wait3A] : memref<2x10240x128xf32, #tpu.memory_space<hbm>> -> memref<1x640x128xf32, #tpu.memory_space<hbm>>
      %dma_wait3A_12 = tpu.memref_squeeze %dma_wait3A_11 : memref<1x640x128xf32, #tpu.memory_space<hbm>> -> memref<640x128xf32, #tpu.memory_space<hbm>>
      %dma_wait3A_13 = arith.constant 0 : i32
      %dma_wait3A_14 = tpu.memref_slice %arg7[%mul3A_0, %dma_wait3A_13] : memref<10240x128xf32, #tpu.memory_space<vmem_shared>> -> memref<640x128xf32, #tpu.memory_space<vmem_shared>>
      tpu.wait_dma2 semaphore(%run_scoped3A : memref<!tpu.dma_semaphore, #tpu.memory_space<semaphore_mem>>) src(%dma_wait3A_14 : memref<640x128xf32, #tpu.memory_space<vmem_shared>>) dst(%dma_wait3A_12 : memref<640x128xf32, #tpu.memory_space<hbm>>)
      tpu.yield
    }) : () -> ()
    return
  }
}

module attributes {stable_mosaic.version = 14 : i64} {
  func.func @_combine_body(%arg0: i32, %arg1: memref<2x256x128xf32, #tpu.memory_space<vmem>>, %arg2: memref<2x256x16xf32, #tpu.memory_space<vmem>>, %arg3: memref<256x128xf32, #tpu.memory_space<vmem>>, %arg4: memref<128x128xf32, #tpu.memory_space<vmem>>, %arg5: memref<128x128xf32, #tpu.memory_space<vmem>>, %arg6: memref<1x128xf32, #tpu.memory_space<vmem>>, %arg7: memref<256x128xf32, #tpu.memory_space<vmem>>) attributes {dimension_semantics = [#tpu.dimension_semantics<arbitrary>], iteration_bounds = array<i64: 40>, scalar_prefetch = 0 : i64, scratch_operands = 0 : i64, tpu.core_type = #tpu.core_type<tc>, window_params = [{transform_indices = @transform_0, window_bounds = array<i64: 2, 256, 128>}, {transform_indices = @transform_1, window_bounds = array<i64: 2, 256, 16>}, {transform_indices = @transform_2, window_bounds = array<i64: 256, 128>}, {pipeline_mode = #tpu.pipeline_mode<synchronous>, transform_indices = @transform_3, window_bounds = array<i64: 128, 128>}, {pipeline_mode = #tpu.pipeline_mode<synchronous>, transform_indices = @transform_4, window_bounds = array<i64: 128, 128>}, {pipeline_mode = #tpu.pipeline_mode<synchronous>, transform_indices = @transform_5, window_bounds = array<i64: 1, 128>}, {transform_indices = @transform_6, window_bounds = array<i64: 256, 128>}]} {
    %get3A = arith.constant 0 : index
    %get3A_0 = arith.constant 0 : index
    %get3A_1 = arith.constant 0 : index
    %get3A_2 = vector.load %arg1[%get3A, %get3A_0, %get3A_1] : memref<2x256x128xf32, #tpu.memory_space<vmem>>, vector<1x256x128xf32>
    %get3A_3 = vector.shape_cast %get3A_2 : vector<1x256x128xf32> to vector<256x128xf32>
    %get3A_4 = arith.constant 1 : index
    %get3A_5 = arith.constant 0 : index
    %get3A_6 = arith.constant 0 : index
    %get3A_7 = vector.load %arg1[%get3A_4, %get3A_5, %get3A_6] : memref<2x256x128xf32, #tpu.memory_space<vmem>>, vector<1x256x128xf32>
    %get3A_8 = vector.shape_cast %get3A_7 : vector<1x256x128xf32> to vector<256x128xf32>
    %add3A = arith.addf %get3A_3, %get3A_8 : vector<256x128xf32>
    %get3A_9 = arith.constant 0 : index
    %get3A_10 = arith.constant 0 : index
    %get3A_11 = arith.constant 0 : index
    %get3A_12 = vector.load %arg2[%get3A_9, %get3A_10, %get3A_11] : memref<2x256x16xf32, #tpu.memory_space<vmem>>, vector<1x256x1xf32>
    %get3A_13 = vector.shape_cast %get3A_12 : vector<1x256x1xf32> to vector<256x1xf32>
    %get3A_14 = arith.constant 1 : index
    %get3A_15 = arith.constant 0 : index
    %get3A_16 = arith.constant 0 : index
    %get3A_17 = vector.load %arg2[%get3A_14, %get3A_15, %get3A_16] : memref<2x256x16xf32, #tpu.memory_space<vmem>>, vector<1x256x1xf32>
    %get3A_18 = vector.shape_cast %get3A_17 : vector<1x256x1xf32> to vector<256x1xf32>
    %add3A_19 = arith.addf %get3A_13, %get3A_18 : vector<256x1xf32>
    %max3A = arith.constant 1.000000e+00 : f32
    %max3A_20 = vector.broadcast %max3A : f32 to vector<256x1xf32>
    %max3A_21 = arith.maximumf %add3A_19, %max3A_20 : vector<256x1xf32>
    %div3A = vector.broadcast %max3A_21 : vector<256x1xf32> to vector<256x128xf32>
    %div3A_22 = arith.divf %add3A, %div3A : vector<256x128xf32>
    %get3A_23 = arith.constant 0 : index
    %get3A_24 = arith.constant 0 : index
    %get3A_25 = vector.load %arg4[%get3A_23, %get3A_24] : memref<128x128xf32, #tpu.memory_space<vmem>>, vector<128x128xf32>
    %dot_general3A = arith.constant dense<0.000000e+00> : vector<256x128xf32>
    %dot_general3A_26 = tpu.matmul %div3A_22, %get3A_25, %dot_general3A {dimension_numbers = #tpu.dot_dimension_numbers<[1], [0], [0], [1], [0, 0, 1, 1], [], []>, transpose_lhs_hint = false} : vector<256x128xf32>, vector<128x128xf32>, vector<256x128xf32> -> vector<256x128xf32>
    %get3A_27 = arith.constant 0 : index
    %get3A_28 = arith.constant 0 : index
    %get3A_29 = vector.load %arg3[%get3A_27, %get3A_28] : memref<256x128xf32, #tpu.memory_space<vmem>>, vector<256x128xf32>
    %get3A_30 = arith.constant 0 : index
    %get3A_31 = arith.constant 0 : index
    %get3A_32 = vector.load %arg5[%get3A_30, %get3A_31] : memref<128x128xf32, #tpu.memory_space<vmem>>, vector<128x128xf32>
    %dot_general3A_33 = arith.constant dense<0.000000e+00> : vector<256x128xf32>
    %dot_general3A_34 = tpu.matmul %get3A_29, %get3A_32, %dot_general3A_33 {dimension_numbers = #tpu.dot_dimension_numbers<[1], [0], [0], [1], [0, 0, 1, 1], [], []>, transpose_lhs_hint = false} : vector<256x128xf32>, vector<128x128xf32>, vector<256x128xf32> -> vector<256x128xf32>
    %add3A_35 = arith.addf %dot_general3A_26, %dot_general3A_34 : vector<256x128xf32>
    %get3A_36 = arith.constant 0 : index
    %get3A_37 = arith.constant 0 : index
    %get3A_38 = vector.load %arg6[%get3A_36, %get3A_37] : memref<1x128xf32, #tpu.memory_space<vmem>>, vector<1x128xf32>
    %add3A_39 = vector.broadcast %get3A_38 : vector<1x128xf32> to vector<256x128xf32>
    %add3A_40 = arith.addf %add3A_35, %add3A_39 : vector<256x128xf32>
    %max3A_41 = arith.constant 0.000000e+00 : f32
    %max3A_42 = vector.broadcast %max3A_41 : f32 to vector<256x128xf32>
    %max3A_43 = arith.maximumf %add3A_40, %max3A_42 : vector<256x128xf32>
    %swap3A = arith.constant 0 : index
    %swap3A_44 = arith.constant 0 : index
    %swap3A_45 = vector.load %arg7[%swap3A, %swap3A_44] : memref<256x128xf32, #tpu.memory_space<vmem>>, vector<256x128xf32>
    tpu.vector_store %arg7[%swap3A, %swap3A_44], %max3A_43 {strides = array<i32>} : memref<256x128xf32, #tpu.memory_space<vmem>>, vector<256x128xf32>,
    return
  }
  func.func @transform_0(%arg0: i32) -> (i32, i32, i32) {
    %c0_i32 = arith.constant 0 : i32
    %c0_i32_0 = arith.constant 0 : i32
    %c0_i32_1 = arith.constant 0 : i32
    return %c0_i32, %arg0, %c0_i32_0 : i32, i32, i32
  }
  func.func @transform_1(%arg0: i32) -> (i32, i32, i32) {
    %c0_i32 = arith.constant 0 : i32
    %c0_i32_0 = arith.constant 0 : i32
    %c0_i32_1 = arith.constant 0 : i32
    return %c0_i32, %arg0, %c0_i32_0 : i32, i32, i32
  }
  func.func @transform_2(%arg0: i32) -> (i32, i32) {
    %c0_i32 = arith.constant 0 : i32
    %c0_i32_0 = arith.constant 0 : i32
    return %arg0, %c0_i32 : i32, i32
  }
  func.func @transform_3(%arg0: i32) -> (i32, i32) {
    %c0_i32 = arith.constant 0 : i32
    %c0_i32_0 = arith.constant 0 : i32
    %c0_i32_1 = arith.constant 0 : i32
    return %c0_i32, %c0_i32_0 : i32, i32
  }
  func.func @transform_4(%arg0: i32) -> (i32, i32) {
    %c0_i32 = arith.constant 0 : i32
    %c0_i32_0 = arith.constant 0 : i32
    %c0_i32_1 = arith.constant 0 : i32
    return %c0_i32, %c0_i32_0 : i32, i32
  }
  func.func @transform_5(%arg0: i32) -> (i32, i32) {
    %c0_i32 = arith.constant 0 : i32
    %c0_i32_0 = arith.constant 0 : i32
    %c0_i32_1 = arith.constant 0 : i32
    return %c0_i32, %c0_i32_0 : i32, i32
  }
  func.func @transform_6(%arg0: i32) -> (i32, i32) {
    %c0_i32 = arith.constant 0 : i32
    %c0_i32_0 = arith.constant 0 : i32
    return %arg0, %c0_i32 : i32, i32
  }
}

module attributes {stable_mosaic.version = 14 : i64} {
  func.func @_combine_body(%arg0: i32, %arg1: memref<2x256x128xf32, #tpu.memory_space<vmem>>, %arg2: memref<2x256x16xf32, #tpu.memory_space<vmem>>, %arg3: memref<256x128xf32, #tpu.memory_space<vmem>>, %arg4: memref<128x128xf32, #tpu.memory_space<vmem>>, %arg5: memref<128x128xf32, #tpu.memory_space<vmem>>, %arg6: memref<1x128xf32, #tpu.memory_space<vmem>>, %arg7: memref<256x128xf32, #tpu.memory_space<vmem>>) attributes {dimension_semantics = [#tpu.dimension_semantics<arbitrary>], iteration_bounds = array<i64: 40>, scalar_prefetch = 0 : i64, scratch_operands = 0 : i64, tpu.core_type = #tpu.core_type<tc>, window_params = [{transform_indices = @transform_0, window_bounds = array<i64: 2, 256, 128>}, {transform_indices = @transform_1, window_bounds = array<i64: 2, 256, 16>}, {transform_indices = @transform_2, window_bounds = array<i64: 256, 128>}, {pipeline_mode = #tpu.pipeline_mode<synchronous>, transform_indices = @transform_3, window_bounds = array<i64: 128, 128>}, {pipeline_mode = #tpu.pipeline_mode<synchronous>, transform_indices = @transform_4, window_bounds = array<i64: 128, 128>}, {pipeline_mode = #tpu.pipeline_mode<synchronous>, transform_indices = @transform_5, window_bounds = array<i64: 1, 128>}, {transform_indices = @transform_6, window_bounds = array<i64: 256, 128>}]} {
    %get3A = arith.constant 0 : index
    %get3A_0 = arith.constant 0 : index
    %get3A_1 = arith.constant 0 : index
    %get3A_2 = vector.load %arg1[%get3A, %get3A_0, %get3A_1] : memref<2x256x128xf32, #tpu.memory_space<vmem>>, vector<1x256x128xf32>
    %get3A_3 = vector.shape_cast %get3A_2 : vector<1x256x128xf32> to vector<256x128xf32>
    %get3A_4 = arith.constant 1 : index
    %get3A_5 = arith.constant 0 : index
    %get3A_6 = arith.constant 0 : index
    %get3A_7 = vector.load %arg1[%get3A_4, %get3A_5, %get3A_6] : memref<2x256x128xf32, #tpu.memory_space<vmem>>, vector<1x256x128xf32>
    %get3A_8 = vector.shape_cast %get3A_7 : vector<1x256x128xf32> to vector<256x128xf32>
    %add3A = arith.addf %get3A_3, %get3A_8 : vector<256x128xf32>
    %get3A_9 = arith.constant 0 : index
    %get3A_10 = arith.constant 0 : index
    %get3A_11 = arith.constant 0 : index
    %get3A_12 = vector.load %arg2[%get3A_9, %get3A_10, %get3A_11] : memref<2x256x16xf32, #tpu.memory_space<vmem>>, vector<1x256x1xf32>
    %get3A_13 = vector.shape_cast %get3A_12 : vector<1x256x1xf32> to vector<256x1xf32>
    %get3A_14 = arith.constant 1 : index
    %get3A_15 = arith.constant 0 : index
    %get3A_16 = arith.constant 0 : index
    %get3A_17 = vector.load %arg2[%get3A_14, %get3A_15, %get3A_16] : memref<2x256x16xf32, #tpu.memory_space<vmem>>, vector<1x256x1xf32>
    %get3A_18 = vector.shape_cast %get3A_17 : vector<1x256x1xf32> to vector<256x1xf32>
    %add3A_19 = arith.addf %get3A_13, %get3A_18 : vector<256x1xf32>
    %max3A = arith.constant 1.000000e+00 : f32
    %max3A_20 = vector.broadcast %max3A : f32 to vector<256x1xf32>
    %max3A_21 = arith.maximumf %add3A_19, %max3A_20 : vector<256x1xf32>
    %div3A = vector.broadcast %max3A_21 : vector<256x1xf32> to vector<256x128xf32>
    %div3A_22 = arith.divf %add3A, %div3A : vector<256x128xf32>
    %get3A_23 = arith.constant 0 : index
    %get3A_24 = arith.constant 0 : index
    %get3A_25 = vector.load %arg4[%get3A_23, %get3A_24] : memref<128x128xf32, #tpu.memory_space<vmem>>, vector<128x128xf32>
    %dot_general3A = arith.constant dense<0.000000e+00> : vector<256x128xf32>
    %dot_general3A_26 = tpu.matmul %div3A_22, %get3A_25, %dot_general3A {dimension_numbers = #tpu.dot_dimension_numbers<[1], [0], [0], [1], [0, 0, 1, 1], [], []>, transpose_lhs_hint = false} : vector<256x128xf32>, vector<128x128xf32>, vector<256x128xf32> -> vector<256x128xf32>
    %get3A_27 = arith.constant 0 : index
    %get3A_28 = arith.constant 0 : index
    %get3A_29 = vector.load %arg3[%get3A_27, %get3A_28] : memref<256x128xf32, #tpu.memory_space<vmem>>, vector<256x128xf32>
    %get3A_30 = arith.constant 0 : index
    %get3A_31 = arith.constant 0 : index
    %get3A_32 = vector.load %arg5[%get3A_30, %get3A_31] : memref<128x128xf32, #tpu.memory_space<vmem>>, vector<128x128xf32>
    %dot_general3A_33 = arith.constant dense<0.000000e+00> : vector<256x128xf32>
    %dot_general3A_34 = tpu.matmul %get3A_29, %get3A_32, %dot_general3A_33 {dimension_numbers = #tpu.dot_dimension_numbers<[1], [0], [0], [1], [0, 0, 1, 1], [], []>, transpose_lhs_hint = false} : vector<256x128xf32>, vector<128x128xf32>, vector<256x128xf32> -> vector<256x128xf32>
    %add3A_35 = arith.addf %dot_general3A_26, %dot_general3A_34 : vector<256x128xf32>
    %get3A_36 = arith.constant 0 : index
    %get3A_37 = arith.constant 0 : index
    %get3A_38 = vector.load %arg6[%get3A_36, %get3A_37] : memref<1x128xf32, #tpu.memory_space<vmem>>, vector<1x128xf32>
    %add3A_39 = vector.broadcast %get3A_38 : vector<1x128xf32> to vector<256x128xf32>
    %add3A_40 = arith.addf %add3A_35, %add3A_39 : vector<256x128xf32>
    %swap3A = arith.constant 0 : index
    %swap3A_41 = arith.constant 0 : index
    %swap3A_42 = vector.load %arg7[%swap3A, %swap3A_41] : memref<256x128xf32, #tpu.memory_space<vmem>>, vector<256x128xf32>
    tpu.vector_store %arg7[%swap3A, %swap3A_41], %add3A_40 {strides = array<i32>} : memref<256x128xf32, #tpu.memory_space<vmem>>, vector<256x128xf32>,
    return
  }
  func.func @transform_0(%arg0: i32) -> (i32, i32, i32) {
    %c0_i32 = arith.constant 0 : i32
    %c0_i32_0 = arith.constant 0 : i32
    %c0_i32_1 = arith.constant 0 : i32
    return %c0_i32, %arg0, %c0_i32_0 : i32, i32, i32
  }
  func.func @transform_1(%arg0: i32) -> (i32, i32, i32) {
    %c0_i32 = arith.constant 0 : i32
    %c0_i32_0 = arith.constant 0 : i32
    %c0_i32_1 = arith.constant 0 : i32
    return %c0_i32, %arg0, %c0_i32_0 : i32, i32, i32
  }
  func.func @transform_2(%arg0: i32) -> (i32, i32) {
    %c0_i32 = arith.constant 0 : i32
    %c0_i32_0 = arith.constant 0 : i32
    return %arg0, %c0_i32 : i32, i32
  }
  func.func @transform_3(%arg0: i32) -> (i32, i32) {
    %c0_i32 = arith.constant 0 : i32
    %c0_i32_0 = arith.constant 0 : i32
    %c0_i32_1 = arith.constant 0 : i32
    return %c0_i32, %c0_i32_0 : i32, i32
  }
  func.func @transform_4(%arg0: i32) -> (i32, i32) {
    %c0_i32 = arith.constant 0 : i32
    %c0_i32_0 = arith.constant 0 : i32
    %c0_i32_1 = arith.constant 0 : i32
    return %c0_i32, %c0_i32_0 : i32, i32
  }
  func.func @transform_5(%arg0: i32) -> (i32, i32) {
    %c0_i32 = arith.constant 0 : i32
    %c0_i32_0 = arith.constant 0 : i32
    %c0_i32_1 = arith.constant 0 : i32
    return %c0_i32, %c0_i32_0 : i32, i32
  }
  func.func @transform_6(%arg0: i32) -> (i32, i32) {
    %c0_i32 = arith.constant 0 : i32
    %c0_i32_0 = arith.constant 0 : i32
    return %arg0, %c0_i32 : i32, i32
  }
}

</mosaic_0001>

<sc_bundles>
// kernel: kernel.10.cloned.1.call-start
scs
__scs_entry_jumppad:
0x0: {  	(pc) =	sbr.rel $0x88, $3  }
0x1: {  	(tag) =	ssettag $0x0;
	lr =	simm.s32 $0x1  }
0x2: {  	[smem:$0x3F99] =	sst lr;
	_ =	strace $0xD0000000  }
0x3: {  	_ = 	snop  }
0x4: {  	_ = 	snop  }
0x5: {  	_ = 	snop  }
0x6: {  	_ = 	snop  }
0x7: {  	_ = 	snop  }
__scs_overlays_trampoline_lowered:
0x8: {  	[smem:$0x3FA8] =	sst s0  }
0x9: {  	[smem:$0x3FA9] =	sst s1  }
0xa: {  	[smem:$0x3FAA] =	sst s2  }
0xb: {  	[smem:$0x3FAB] =	sst s3  }
0xc: {  	[smem:$0x3FAC] =	sst s4  }
0xd: {  	[smem:$0x3FAD] =	sst s5  }
0xe: {  	[smem:$0x3FAE] =	sst s6  }
0xf: {  	[smem:$0x3FAF] =	sst s7  }
0x10: {  	[smem:$0x3FB0] =	sst s8  }
0x11: {  	[smem:$0x3FB1] =	sst s9;
	s0 =	simm.s32 @!p0 $0x0  }
0x12: {  	s1 =	sld [smem:$0x3F97];
	s0 =	simm.s32 @p0 $0x1  }
0x13: {  	[smem:$0x3FB2] =	sst s0;
	s0 =	simm.s32 @!p1 $0x0  }
0x14: {  	s2 =	sld [smem:$0x3F96];
	s0 =	simm.s32 @p1 $0x1  }
0x15: {  	[smem:$0x3FB3] =	sst s0;
	s0 =	simm.s32 @!p2 $0x0  }
0x16: {  	s3 =	sld [smem:$0x3FDB];
	s0 =	simm.s32 @p2 $0x1  }
0x17: {  	s4 =	simm.s32 $0x1BF5;
	[smem:$0x3FB5] =	sst s0  }
0x18: {  	s0 =	sld [smem:$0x3F98];
	_ =	swait.ge [sflag:s4], $0x0  }
0x19: {  	s7 =	sld [smem:$0x3F99]  }
0x1a: {  	s8 =	sadd.s32 $0xFFFFE003, lr  }
0x1b: {  	s9 =	sadd.s32 $0xFFFFFEF7, lr;
	s5 =	simm.s32 $0xFFFFFFFF;
	p2 =	slt.u32 s8, $0xFFFFF086  }
0x1c: {  	p1 =	slt.u32 s9, $0xF7A;
	s5 =	simm.s32 @!p2 $0x0  }
0x1d: {  	s5 =	simm.s32 @p1 $0x1;
	p0 =	seq.s32 s7, s2  }
0x1e: {  	s7 =	smul.u32 @!p0 $0xF7A, s2;
	p2 =	seq.s32 @!p0 s5, $0x0  }
0x1f: {  	s9 =	smul.u32 $0xF7A, s1;
	s8 =	simm.s32 @!p0 $0x1BF5;
	p2 =	por !p2, p0  }
0x20: {  	[sflag:s8] =	ssyncset.s32 @!p0 $0xFFFFF086;
	s6 =	sadd.s32 @!p0 s3, s7;
	s7 =	simm.s32 @!p0 $0x108  }
0x21: {  	s3 =	sadd.s32 s3, s9;
	s6 =	sadd.s32 @!p0 $0x88, s6;
	s7 =	simm.s32 @p2 $0x1082  }
0x22: {  	[simem:s7], [sflag:s8] =	dma.local @!p0 [hbm:s6], $0xF7A  }
0x23: {  	s9 =	sor.u32 $0xD0000000, s2;
	s6 =	simm.s32 $0x108;
	_ =	swait.ge @!p0 [sflag:s8], $0x0  }
0x24: {  	s3 =	sadd.s32 $0x88, s3;
	s6 =	simm.s32 @!p1 $0x1082;
	[sflag:s4] =	ssyncset.s32 $0xFFFFF086  }
0x25: {  	[simem:s6], [sflag:s4] =	dma.local [hbm:s3], $0xF7A  }
0x26: {  	[smem:$0x3F99] =	sst s1;
	(tag) =	ssettag s2;
	_ =	strace s9  }
0x27: {  	s1 =	sld [smem:$0x3FA9]  }
0x28: {  	s2 =	sld [smem:$0x3FAA]  }
0x29: {  	s4 =	sld [smem:$0x3FAC]  }
0x2a: {  	p0 =	seq.s32 s5, $0x0;
	s5 =	sld [smem:$0x3FAD]  }
0x2b: {  	s6 =	sld [smem:$0x3FAE]  }
0x2c: {  	s7 =	sld [smem:$0x3FAF]  }
0x2d: {  	s3 =	simm.s32 $0x108;
	s8 =	sld [smem:$0x3FB0]  }
0x2e: {  	s3 =	simm.s32 @!p0 $0x1082;
	s9 =	sld [smem:$0x3FB1]  }
0x2f: {  	lr =	sadd.s32 s0, s3;
	s0 =	sld [smem:$0x3FA8]  }
0x30: {  	s3 =	sld [smem:$0x3FAB]  }
0x31: {  	[smem:$0x3FB4] =	sst s10  }
0x32: {  	s10 =	sld [smem:$0x3FB2];
	_ =	sdelay $0x3  }
0x33: {  	p0 =	seq.s32 s10, $0x1;
	s10 =	sld [smem:$0x3FB4];
	_ =	sdelay $0x3  }
0x34: {  	[smem:$0x3FB4] =	sst s10  }
0x35: {  	s10 =	sld [smem:$0x3FB3];
	_ =	sdelay $0x3  }
0x36: {  	p1 =	seq.s32 s10, $0x1;
	s10 =	sld [smem:$0x3FB4];
	_ =	sdelay $0x3  }
0x37: {  	[smem:$0x3FB4] =	sst s10  }
0x38: {  	s10 =	sld [smem:$0x3FB5]  }
0x39: {  	_ = 	snop;
	(pc) =	sbr.ind lr, $3  }
0x3a: {  	_ = 	snop  }
0x3b: {  	_ = 	snop  }
0x3c: {  	p2 =	seq.s32 s10, $0x1;
	s10 =	sld [smem:$0x3FB4]  }
0x3d: {  	_ =	shalt  }
0x3e: {  	_ =	shalt  }
0x3f: {  	_ =	shalt  }
0x40: {  	_ =	shalt  }
0x41: {  	_ =	shalt  }
0x42: {  	_ =	shalt  }
0x43: {  	_ =	shalt  }
0x44: {  	_ =	shalt  }
0x45: {  	_ =	shalt  }
0x46: {  	_ =	shalt  }
0x47: {  	_ =	shalt  }
0x48: {  	_ =	shalt  }
0x49: {  	_ =	shalt  }
0x4a: {  	_ =	shalt  }
0x4b: {  	_ =	shalt  }
0x4c: {  	_ =	shalt  }
0x4d: {  	_ =	shalt  }
0x4e: {  	_ =	shalt  }
0x4f: {  	_ =	shalt  }
0x50: {  	_ =	shalt  }
0x51: {  	_ =	shalt  }
0x52: {  	_ =	shalt  }
0x53: {  	_ =	shalt  }
0x54: {  	_ =	shalt  }
0x55: {  	_ =	shalt  }
0x56: {  	_ =	shalt  }
0x57: {  	_ =	shalt  }
0x58: {  	_ =	shalt  }
0x59: {  	_ =	shalt  }
0x5a: {  	_ =	shalt  }
0x5b: {  	_ =	shalt  }
0x5c: {  	_ =	shalt  }
0x5d: {  	_ =	shalt  }
0x5e: {  	_ =	shalt  }
0x5f: {  	_ =	shalt  }
0x60: {  	_ =	shalt  }
0x61: {  	_ =	shalt  }
0x62: {  	_ =	shalt  }
0x63: {  	_ =	shalt  }
0x64: {  	_ =	shalt  }
0x65: {  	_ =	shalt  }
0x66: {  	_ =	shalt  }
0x67: {  	_ =	shalt  }
0x68: {  	_ =	shalt  }
0x69: {  	_ =	shalt  }
0x6a: {  	_ =	shalt  }
0x6b: {  	_ =	shalt  }
0x6c: {  	_ =	shalt  }
0x6d: {  	_ =	shalt  }
0x6e: {  	_ =	shalt  }
0x6f: {  	_ =	shalt  }
0x70: {  	_ =	shalt  }
0x71: {  	_ =	shalt  }
0x72: {  	_ =	shalt  }
0x73: {  	_ =	shalt  }
0x74: {  	_ =	shalt  }
0x75: {  	_ =	shalt  }
0x76: {  	_ =	shalt  }
0x77: {  	_ =	shalt  }
0x78: {  	_ =	shalt  }
0x79: {  	_ =	shalt  }
0x7a: {  	_ =	shalt  }
0x7b: {  	_ =	shalt  }
0x7c: {  	_ =	shalt  }
0x7d: {  	_ =	shalt  }
0x7e: {  	_ =	shalt  }
0x7f: {  	_ =	shalt  }
0x80: {  	_ =	shalt  }
0x81: {  	_ =	shalt  }
0x82: {  	_ =	shalt  }
0x83: {  	_ =	shalt  }
0x84: {  	_ =	shalt  }
0x85: {  	_ =	shalt  }
0x86: {  	_ =	shalt  }
0x87: {  	_ =	shalt  }
.Lfunc_end0:
.L_simem_size_0:
called_computation.1_lowered:
.L_overlay_start_0:
0x88: {  	s2 =	sld [smem:$0x3FD9]  }
0x89: {  	s3 =	sld [smem:$0x3FFE];
	_ =	sdelay $0x1  }
0x8a: {  	s1 =	srdreg.scid  }
0x8b: {  	s0 =	sand.u32 $0x1, s1  }
0x8c: {  	s17 =	sshll.u32 s0, $0xA;
	s2 =	sadd.s32 s3, s2  }
0x8d: {  	s2 =	sadd.s32 s2, s17  }
0x8e: {  	[smem:$0x3FC0] =	sst s2  }
0x8f: {  	_ = 	snop  }
0x90: {  	s2 =	sld [smem:$0x3FD0];
	(tm) =	ssettm $0x1  }
0x91: {  	s18 =	sld [smem:$0x3FFB];
	_ =	sdelay $0x3  }
0x92: {  	_ =	strace s18  }
0x93: {  	s3 =	sld [smem:$0x3FFC];
	_ =	sdelay $0x3  }
0x94: {  	_ =	strace s3  }
0x95: {  	s3 =	sld [smem:$0x3FFD];
	_ =	sdelay $0x3  }
0x96: {  	_ =	strace s3  }
0x97: {  	_ =	strace $0x8FFFFFFF  }
0x98: {  	s19 =	sld [smem:$0x3FDB];
	_ =	sdelay $0x1  }
0x99: {  	s4 =	simm.s32 $_scs_section_size  }
0x9a: {  	s5 =	simm.s32 $_size__tile_overlayer_lowered;
	s6 =	simm.s32 $_tile_overlayer_lowered  }
0x9b: {  	s22 =	simm.s32 $0x1BFF;
	s21 =	sshll.u32 s6, $0x1;
	s3 =	sadd.s32 s4, s19  }
0x9c: {  	s7 =	simm.s32 $0x0;
	s20 =	sshll.u32 s5, $0x1;
	s5 =	sadd.s32 s21, s3  }
0x9d: {  	[timem:s7], [sflag:s22] =	dma.local [hbm:s5], s20  }
0x9e: {  	_ =	swait.ge [sflag:s22], s20  }
0x9f: {  	s4 =	ssub.s32 $0x0, s20;
	[sflag:s22] =	ssyncset.done $0x0  }
0xa0: {  	[sflag:s22] =	ssyncadd.s32 s4;
	_ =	sdelay $0x1  }
0xa1: {  	s23 =	simm.s32 $0x1B8B  }
0xa2: {  	_ =	swait.ge [sflag:s23], $0x1  }
0xa3: {  	[sflag:s23] =	ssyncset.done $0x0  }
0xa4: {  	s25 =	simm.s32 $0x1B8E;
	s24 =	sld [smem:$0x3FFE];
	[sflag:s23] =	ssyncadd.s32 $0xFFFFFFFF  }
0xa5: {  	s26 =	simm.s32 $execute0_lowered;
	[smem:$0x3FD2] =	sst s25  }
0xa6: {  	s5 =	sshll.u32 s26, $0x1;
	_ =	strace $0x80000046;
	[dreg:$0x1] =	wrdreg $0xFFFFFFFF  }
0xa7: {  	s28 =	simm.s32 $_size_execute0_lowered;
	s3 =	sadd.s32 s3, s5;
	[dreg:$0x0] =	wrdreg $0x0  }
0xa8: {  	s5 =	sshll.u32 s28, $0x1;
	[dreg:$0x2] =	wrdreg s3  }
0xa9: {  	[dreg:$0x3] =	wrdreg s5  }
0xaa: {  	[dreg:$0x4] =	wrdreg $0xC0  }
0xab: {  	_ =	task [dreg:s7], $0x5FFFF  }
0xac: {  	[dreg:$0x1] =	wrdreg $0xFFFFFFFF  }
0xad: {  	[dreg:$0x0] =	wrdreg $0x60  }
0xae: {  	[dreg:$0x2] =	wrdreg s2  }
0xaf: {  	[dreg:$0x3] =	wrdreg s24  }
0xb0: {  	[dreg:$0x4] =	wrdreg $0x0  }
0xb1: {  	[dreg:$0x5] =	wrdreg $0xA  }
0xb2: {  	_ =	task.clear_ibuf [dreg:s7], $0x6FFFF;
	_ =	strace $0x90000046  }
0xb3: {  	s29 =	simm.s32 $0xA;
	_ =	strace $0x80000048  }
0xb4: {  	_ =	swait.ge [sflag:s29], $0x1  }
0xb5: {  	[sflag:s29] =	ssyncadd.s32 $0xFFFFFFFF  }
0xb6: {  	_ =	strace $0x90000048  }
0xb7: {  	_ =	sfence  }
0xb8: {  	s30 =	sld [smem:$0x0];
	_ =	sdelay $0x2  }
0xb9: {  	s31 =	sshll.u32 s1, $0xD;
	s1 =	sshrl.u32 s1, $0x2  }
0xba: {  	s3 =	sand.u32 $0x4000, s31;
	s1 =	sadd.s32 s1, s30  }
0xbb: {  	s0 =	sor.u32 s3, s0;
	s1 =	sshll.u32 s1, $0x11  }
0xbc: {  	s0 =	sor.u32 s1, s0  }
0xbd: {  	s0 =	sadd.s32 $0x8F2B, s0  }
0xbe: {  	[sflag:s0] =	ssyncadd.remote.s32 $0x1  }
0xbf: {  	_ =	sfence.sel $0xFFFF  }
0xc0: {  	[dreg:$0x0] =	wrdreg $0xFFFFFFFF;
	(pc) =	sbr.abs _section_cstart, $3  }
0xc1: {  	[dreg:$0x1] =	wrdreg $0xFFFFFFFF  }
0xc2: {  	_ =	task.clear_ibuf [dreg:s7], $0x2FFFF;
	_ =	strace $0x9FFFFFFF  }
0xc3: {  	(tm) =	ssettm $0x7FFFFFFF  }
tec
execute0_lowered:
.L_overlay_start_1:
0x0: {  	(tag) =	ssettag $0x1  }
0x1: {  	s7 =	rddreg [dreg:$0x0]  }
0x2: {  	s5 =	rddreg [dreg:$0x1]  }
0x3: {  	s0 =	srdreg.scid;
	s2 =	rddreg [dreg:$0x2]  }
0x4: {  	s1 =	rddreg [dreg:$0x3];
	s6 =	sand.u32 $0x1, s0  }
0x5: {  	s0 =	stileid.u32;
	s4 =	smul.u32 $0x28000, s6  }
0x6: {  	s3 =	simm.s32 $0x0;
	s16 =	simm.s32 $0x19000;
	s8 =	smul.u32 $0x2800, s0  }
0x7: {  	s17 =	simm.s32 $0x1;
	[smem:$0x7FF] =	sst s3;
	s26 =	smul.u32 $0x14000, s0  }
0x8: {  	s18 =	simm.s32 $0x0;
	s10 =	smul.u32 $0x140000, s6;
	_ =	strace $0x80000047  }
0x9: {  	s6 =	ssub.s32 $0x2, s6;
	s28 =	smul.u32 $0x50000, s0;
	s31 =	sshll.u32 s0, $0x6  }
0xa: {  	s29 =	sshrl.u32 s6, $0x1;
	s4 =	sadd.s32 s8, s4;
	s12 =	sshrl.u32 s26, $0x3  }
0xb: {  	s8 =	sadd.s32 s26, s10;
	s14 =	ssub.s32 s6, s29;
	s30 =	sshrl.u32 s28, $0x2  }
0xc: {  	s6 =	sor.u32 $0x1C02, s31;
	s9 =	sshrl.u32 s4, $0x3;
	s4 =	sadd.s32 $0xC200, s5  }
0xd: {  	s8 =	sshrl.u32 s8, $0x3;
	s12 =	sadd.s32 s12, s5;
	s15 =	sadd.s32 s30, s2  }
0xe: {  	s10 =	smax.u32 s14, $0x1;
	s14 =	simm.s32 $0x16800;
	s11 =	sadd.s32 s9, s5  }
0xf: {  	s13 =	sadd.s32 s8, s5;
	s5 =	sadd.s32 $0x34200, s12;
	s7 =	sadd.s32 s7, s9  }
0x10: {  	s12 =	simm.s32 $0x2;
	s8 =	sadd.s32 $0x2200, s11;
	s9 =	sadd.s32 $0x5C200, s13  }
0x11: {  	s11 =	sshrl.u32 s15, $0x3;
	s13 =	simm.s32 $0x14000;
	s15 =	simm.s32 $0x80  }
.LBB2_1:
0x12: {  	[spmem:s11], [sflag:s6] =	dma.local [hbm:s5], $0x2800  }
0x13: {  	_ =	swait.ge [sflag:s12], $0x2800  }
0x14: {  	[sflag:s12] =	ssyncset.done $0x0  }
0x15: {  	[sflag:s12] =	ssyncadd.s32 $0xFFFFD800  }
0x16: {  	[tilespmem:s13], [sflag:$0x2] =	stream.linear.gather [hbm4b:s7+s3], $0x2800, $0x38;
	[tilespmem:$0x1D000] =	vst v63  }
0x17: {  	_ =	swait.ge [sflag:s12], $0x2800  }
0x18: {  	[sflag:s12] =	ssyncset.done $0x0  }
0x19: {  	[sflag:s12] =	ssyncadd.s32 $0xFFFFD800  }
0x1a: {  	[tilespmem:s14], [sflag:$0x2] =	stream.linear.gather [hbm4b:s8+s3], $0x2800, $0x38;
	[tilespmem:$0x1D000] =	vst v63  }
0x1b: {  	_ =	swait.ge [sflag:s12], $0x2800  }
0x1c: {  	[sflag:s12] =	ssyncset.done $0x0  }
0x1d: {  	[sflag:s12] =	ssyncadd.s32 $0xFFFFD800  }
0x1e: {  	s19 =	simm.s32 $0x14000;
	[bflag:$0x0] =	sbarrier.arrive $0xFFFF  }
0x1f: {  	[tilespmem:s16], [sflag:$0x1] =	stream.indirect.gather [hbm4b:s4+s15], $0x80, s19, s15, $0xb8;
	[tilespmem:$0x1D000] =	vst v63  }
0x20: {  	_ =	swait.ge [sflag:s17], $0x4000  }
0x21: {  	[sflag:s17] =	ssyncset.done $0x0  }
0x22: {  	s31 =	simm.s32 $0x16800;
	[sflag:s17] =	ssyncadd.s32 $0xFFFFC000  }
0x23: {  	[spmem:s2] =	stream.indirect.scatter.add.f32 [tilespmem:s16], [sflag:$0x2], $0x80, s31, s15, $0xb8;
	[tilespmem:$0x1D000] =	vst v63  }
0x24: {  	_ =	swait.ge [sflag:s12], $0x4000  }
0x25: {  	s20 =	simm.s32 $0x400;
	s19 =	simm.s32 $0x80;
	[sflag:s12] =	ssyncset.done $0x0  }
.LBB2_2:
0x26: {  	s21 =	sadd.s32 $0x14000, s19  }
0x27: {  	[sflag:s12] =	ssyncadd.s32 $0xFFFFC000;
	s22 =	smov.u32 s20;
	s23 =	sadd.s32 $0x200, s20  }
0x28: {  	[tilespmem:s16], [sflag:$0x1] =	stream.indirect.gather [hbm4b:s4+s15], $0x80, s21, s15, $0xb8;
	[tilespmem:$0x1D000] =	vst v63  }
0x29: {  	p0 =	sne.s32 s20, $0x9E00;
	_ =	swait.ge [sflag:s17], $0x4000  }
.Ltmp0:
0x2a: {  	[sflag:s17] =	ssyncset.done $0x0;
	(pc) =	sbr.rel @p0 .LBB2_2-.Ltmp0, $4  }
0x2b: {  	s19 =	sadd.s32 $0x16800, s19;
	[sflag:s17] =	ssyncadd.s32 $0xFFFFC000  }
0x2c: {  	[spmem:s2] =	stream.indirect.scatter.add.f32 [tilespmem:s16], [sflag:$0x2], $0x80, s19, s15, $0xb8;
	[tilespmem:$0x1D000] =	vst v63  }
0x2d: {  	_ =	swait.ge [sflag:s12], $0x4000  }
0x2e: {  	s20 =	smov.u32 s23;
	s19 =	sshra.s32 s22, $0x2;
	[sflag:s12] =	ssyncset.done $0x0  }
0x2f: {  	s20 =	sadd.s32 $0x14000, s19;
	[sflag:s12] =	ssyncadd.s32 $0xFFFFC000  }
0x30: {  	[tilespmem:s16], [sflag:$0x1] =	stream.indirect.gather [hbm4b:s4+s15], $0x80, s20, s15, $0xb8;
	[tilespmem:$0x1D000] =	vst v63  }
0x31: {  	_ =	swait.ge [sflag:s17], $0x4000  }
0x32: {  	[sflag:s17] =	ssyncset.done $0x0  }
0x33: {  	s31 =	sadd.s32 $0x16800, s19;
	[sflag:s17] =	ssyncadd.s32 $0xFFFFC000  }
0x34: {  	[spmem:s2] =	stream.indirect.scatter.add.f32 [tilespmem:s16], [sflag:$0x2], $0x80, s31, s15, $0xb8;
	[tilespmem:$0x1D000] =	vst v63  }
0x35: {  	_ =	swait.ge [sflag:s12], $0x4000  }
0x36: {  	s18 =	sadd.s32 $0x1, s18;
	[sflag:s12] =	ssyncset.done $0x0  }
0x37: {  	p0 =	sne.s32 s18, s10;
	[sflag:s12] =	ssyncadd.s32 $0xFFFFC000  }
.Ltmp1:
0x38: {  	[bflag:$0x0] =	sbarrier.arrive $0xFFFF;
	(pc) =	sbr.rel @p0 .LBB2_1-.Ltmp1, $4  }
0x39: {  	[hbm:s9], [sflag:s6] =	dma.local [spmem:s11], $0x2800  }
0x3a: {  	_ =	swait.ge [sflag:s12], $0x2800  }
0x3b: {  	[sflag:s12] =	ssyncset.done $0x0  }
0x3c: {  	[sflag:s12] =	ssyncadd.s32 $0xFFFFD800  }
0x3d: {  	_ =	sfence.sel $0x180000  }
0x3e: {  	[bflag:$0x0] =	sbarrier.arrive $0xFFFF  }
0x3f: {  	p0 =	sne.s32 s0, $0x0;
	_ =	strace $0x90000047  }
0x40: {  	s0 =	sadd.s32 @!p0 $0x100000, s1;
	[bflag:$0x2] =	sbarrier.arrive $0xFFFF  }
0x41: {  	[sflag:s0] =	ssyncadd.tile.s32 @!p0 $0x1;
	_ =	shalt  }
.Lfunc_end2:
_tile_overlayer_lowered:
.L_overlay_start_2:
0x42: {  	(tag) =	ssettag $0x2  }
0x43: {  	s0 =	rddreg [dreg:$0x0];
	s2 =	stileid.u32  }
0x44: {  	s1 =	rddreg [dreg:$0x1];
	p0 =	sne.s32 s2, $0x0  }
0x45: {  	s3 =	rddreg [dreg:$0x2];
	[bflag:$0x3] =	sbarrier.arrive $0xFFFF;
	s2 =	simm.s32 @!p0 $0x1C02  }
0x46: {  	[timem:s3], [sflag:s2] =	dma.local @!p0 [hbm:s0], s1  }
0x47: {  	s0 =	simm.s32 @!p0 $0x2  }
0x48: {  	_ =	swait.ge @!p0 [sflag:s0], s1  }
0x49: {  	s1 =	ssub.s32 @!p0 $0x0, s1;
	[sflag:s0] =	ssyncset.done @!p0 $0x0  }
0x4a: {  	[sflag:s0] =	ssyncadd.s32 @!p0 s1  }
0x4b: {  	[bflag:$0x3] =	sbarrier.arrive $0xFFFF  }
0x4c: {  	_ =	shalt  }

// kernel: kernel.13.cloned.1.call-start
scs
__scs_entry_jumppad:
0x0: {  	(pc) =	sbr.rel $0x88, $3  }
0x1: {  	(tag) =	ssettag $0x0;
	lr =	simm.s32 $0x1  }
0x2: {  	[smem:$0x3F99] =	sst lr;
	_ =	strace $0xD0000000  }
0x3: {  	_ = 	snop  }
0x4: {  	_ = 	snop  }
0x5: {  	_ = 	snop  }
0x6: {  	_ = 	snop  }
0x7: {  	_ = 	snop  }
__scs_overlays_trampoline_lowered:
0x8: {  	[smem:$0x3FA8] =	sst s0  }
0x9: {  	[smem:$0x3FA9] =	sst s1  }
0xa: {  	[smem:$0x3FAA] =	sst s2  }
0xb: {  	[smem:$0x3FAB] =	sst s3  }
0xc: {  	[smem:$0x3FAC] =	sst s4  }
0xd: {  	[smem:$0x3FAD] =	sst s5  }
0xe: {  	[smem:$0x3FAE] =	sst s6  }
0xf: {  	[smem:$0x3FAF] =	sst s7  }
0x10: {  	[smem:$0x3FB0] =	sst s8  }
0x11: {  	[smem:$0x3FB1] =	sst s9;
	s0 =	simm.s32 @!p0 $0x0  }
0x12: {  	s1 =	sld [smem:$0x3F97];
	s0 =	simm.s32 @p0 $0x1  }
0x13: {  	[smem:$0x3FB2] =	sst s0;
	s0 =	simm.s32 @!p1 $0x0  }
0x14: {  	s2 =	sld [smem:$0x3F96];
	s0 =	simm.s32 @p1 $0x1  }
0x15: {  	[smem:$0x3FB3] =	sst s0;
	s0 =	simm.s32 @!p2 $0x0  }
0x16: {  	s3 =	sld [smem:$0x3FDB];
	s0 =	simm.s32 @p2 $0x1  }
0x17: {  	s4 =	simm.s32 $0x1BF5;
	[smem:$0x3FB5] =	sst s0  }
0x18: {  	s0 =	sld [smem:$0x3F98];
	_ =	swait.ge [sflag:s4], $0x0  }
0x19: {  	s7 =	sld [smem:$0x3F99]  }
0x1a: {  	s8 =	sadd.s32 $0xFFFFE003, lr  }
0x1b: {  	s9 =	sadd.s32 $0xFFFFFEF7, lr;
	s5 =	simm.s32 $0xFFFFFFFF;
	p2 =	slt.u32 s8, $0xFFFFF086  }
0x1c: {  	p1 =	slt.u32 s9, $0xF7A;
	s5 =	simm.s32 @!p2 $0x0  }
0x1d: {  	s5 =	simm.s32 @p1 $0x1;
	p0 =	seq.s32 s7, s2  }
0x1e: {  	s7 =	smul.u32 @!p0 $0xF7A, s2;
	p2 =	seq.s32 @!p0 s5, $0x0  }
0x1f: {  	s9 =	smul.u32 $0xF7A, s1;
	s8 =	simm.s32 @!p0 $0x1BF5;
	p2 =	por !p2, p0  }
0x20: {  	[sflag:s8] =	ssyncset.s32 @!p0 $0xFFFFF086;
	s6 =	sadd.s32 @!p0 s3, s7;
	s7 =	simm.s32 @!p0 $0x108  }
0x21: {  	s3 =	sadd.s32 s3, s9;
	s6 =	sadd.s32 @!p0 $0x88, s6;
	s7 =	simm.s32 @p2 $0x1082  }
0x22: {  	[simem:s7], [sflag:s8] =	dma.local @!p0 [hbm:s6], $0xF7A  }
0x23: {  	s9 =	sor.u32 $0xD0000000, s2;
	s6 =	simm.s32 $0x108;
	_ =	swait.ge @!p0 [sflag:s8], $0x0  }
0x24: {  	s3 =	sadd.s32 $0x88, s3;
	s6 =	simm.s32 @!p1 $0x1082;
	[sflag:s4] =	ssyncset.s32 $0xFFFFF086  }
0x25: {  	[simem:s6], [sflag:s4] =	dma.local [hbm:s3], $0xF7A  }
0x26: {  	[smem:$0x3F99] =	sst s1;
	(tag) =	ssettag s2;
	_ =	strace s9  }
0x27: {  	s1 =	sld [smem:$0x3FA9]  }
0x28: {  	s2 =	sld [smem:$0x3FAA]  }
0x29: {  	s4 =	sld [smem:$0x3FAC]  }
0x2a: {  	p0 =	seq.s32 s5, $0x0;
	s5 =	sld [smem:$0x3FAD]  }
0x2b: {  	s6 =	sld [smem:$0x3FAE]  }
0x2c: {  	s7 =	sld [smem:$0x3FAF]  }
0x2d: {  	s3 =	simm.s32 $0x108;
	s8 =	sld [smem:$0x3FB0]  }
0x2e: {  	s3 =	simm.s32 @!p0 $0x1082;
	s9 =	sld [smem:$0x3FB1]  }
0x2f: {  	lr =	sadd.s32 s0, s3;
	s0 =	sld [smem:$0x3FA8]  }
0x30: {  	s3 =	sld [smem:$0x3FAB]  }
0x31: {  	[smem:$0x3FB4] =	sst s10  }
0x32: {  	s10 =	sld [smem:$0x3FB2];
	_ =	sdelay $0x3  }
0x33: {  	p0 =	seq.s32 s10, $0x1;
	s10 =	sld [smem:$0x3FB4];
	_ =	sdelay $0x3  }
0x34: {  	[smem:$0x3FB4] =	sst s10  }
0x35: {  	s10 =	sld [smem:$0x3FB3];
	_ =	sdelay $0x3  }
0x36: {  	p1 =	seq.s32 s10, $0x1;
	s10 =	sld [smem:$0x3FB4];
	_ =	sdelay $0x3  }
0x37: {  	[smem:$0x3FB4] =	sst s10  }
0x38: {  	s10 =	sld [smem:$0x3FB5]  }
0x39: {  	_ = 	snop;
	(pc) =	sbr.ind lr, $3  }
0x3a: {  	_ = 	snop  }
0x3b: {  	_ = 	snop  }
0x3c: {  	p2 =	seq.s32 s10, $0x1;
	s10 =	sld [smem:$0x3FB4]  }
0x3d: {  	_ =	shalt  }
0x3e: {  	_ =	shalt  }
0x3f: {  	_ =	shalt  }
0x40: {  	_ =	shalt  }
0x41: {  	_ =	shalt  }
0x42: {  	_ =	shalt  }
0x43: {  	_ =	shalt  }
0x44: {  	_ =	shalt  }
0x45: {  	_ =	shalt  }
0x46: {  	_ =	shalt  }
0x47: {  	_ =	shalt  }
0x48: {  	_ =	shalt  }
0x49: {  	_ =	shalt  }
0x4a: {  	_ =	shalt  }
0x4b: {  	_ =	shalt  }
0x4c: {  	_ =	shalt  }
0x4d: {  	_ =	shalt  }
0x4e: {  	_ =	shalt  }
0x4f: {  	_ =	shalt  }
0x50: {  	_ =	shalt  }
0x51: {  	_ =	shalt  }
0x52: {  	_ =	shalt  }
0x53: {  	_ =	shalt  }
0x54: {  	_ =	shalt  }
0x55: {  	_ =	shalt  }
0x56: {  	_ =	shalt  }
0x57: {  	_ =	shalt  }
0x58: {  	_ =	shalt  }
0x59: {  	_ =	shalt  }
0x5a: {  	_ =	shalt  }
0x5b: {  	_ =	shalt  }
0x5c: {  	_ =	shalt  }
0x5d: {  	_ =	shalt  }
0x5e: {  	_ =	shalt  }
0x5f: {  	_ =	shalt  }
0x60: {  	_ =	shalt  }
0x61: {  	_ =	shalt  }
0x62: {  	_ =	shalt  }
0x63: {  	_ =	shalt  }
0x64: {  	_ =	shalt  }
0x65: {  	_ =	shalt  }
0x66: {  	_ =	shalt  }
0x67: {  	_ =	shalt  }
0x68: {  	_ =	shalt  }
0x69: {  	_ =	shalt  }
0x6a: {  	_ =	shalt  }
0x6b: {  	_ =	shalt  }
0x6c: {  	_ =	shalt  }
0x6d: {  	_ =	shalt  }
0x6e: {  	_ =	shalt  }
0x6f: {  	_ =	shalt  }
0x70: {  	_ =	shalt  }
0x71: {  	_ =	shalt  }
0x72: {  	_ =	shalt  }
0x73: {  	_ =	shalt  }
0x74: {  	_ =	shalt  }
0x75: {  	_ =	shalt  }
0x76: {  	_ =	shalt  }
0x77: {  	_ =	shalt  }
0x78: {  	_ =	shalt  }
0x79: {  	_ =	shalt  }
0x7a: {  	_ =	shalt  }
0x7b: {  	_ =	shalt  }
0x7c: {  	_ =	shalt  }
0x7d: {  	_ =	shalt  }
0x7e: {  	_ =	shalt  }
0x7f: {  	_ =	shalt  }
0x80: {  	_ =	shalt  }
0x81: {  	_ =	shalt  }
0x82: {  	_ =	shalt  }
0x83: {  	_ =	shalt  }
0x84: {  	_ =	shalt  }
0x85: {  	_ =	shalt  }
0x86: {  	_ =	shalt  }
0x87: {  	_ =	shalt  }
.Lfunc_end0:
.L_simem_size_0:
called_computation.2_lowered:
.L_overlay_start_0:
0x88: {  	s2 =	sld [smem:$0x3FD9]  }
0x89: {  	s3 =	sld [smem:$0x3FFE];
	_ =	sdelay $0x1  }
0x8a: {  	s1 =	srdreg.scid  }
0x8b: {  	s0 =	sand.u32 $0x1, s1  }
0x8c: {  	s17 =	sshll.u32 s0, $0xA;
	s2 =	sadd.s32 s3, s2  }
0x8d: {  	s2 =	sadd.s32 s2, s17  }
0x8e: {  	[smem:$0x3FC0] =	sst s2  }
0x8f: {  	_ = 	snop  }
0x90: {  	s2 =	sld [smem:$0x3FD0];
	(tm) =	ssettm $0x1  }
0x91: {  	s18 =	sld [smem:$0x3FFB];
	_ =	sdelay $0x3  }
0x92: {  	_ =	strace s18  }
0x93: {  	s3 =	sld [smem:$0x3FFC];
	_ =	sdelay $0x3  }
0x94: {  	_ =	strace s3  }
0x95: {  	s3 =	sld [smem:$0x3FFD];
	_ =	sdelay $0x3  }
0x96: {  	_ =	strace s3  }
0x97: {  	_ =	strace $0x8FFFFFFF  }
0x98: {  	s19 =	sld [smem:$0x3FDB];
	_ =	sdelay $0x1  }
0x99: {  	s4 =	simm.s32 $_scs_section_size  }
0x9a: {  	s5 =	simm.s32 $_size__tile_overlayer_lowered;
	s6 =	simm.s32 $_tile_overlayer_lowered  }
0x9b: {  	s22 =	simm.s32 $0x1BFF;
	s21 =	sshll.u32 s6, $0x1;
	s3 =	sadd.s32 s4, s19  }
0x9c: {  	s7 =	simm.s32 $0x0;
	s20 =	sshll.u32 s5, $0x1;
	s5 =	sadd.s32 s21, s3  }
0x9d: {  	[timem:s7], [sflag:s22] =	dma.local [hbm:s5], s20  }
0x9e: {  	_ =	swait.ge [sflag:s22], s20  }
0x9f: {  	s4 =	ssub.s32 $0x0, s20;
	[sflag:s22] =	ssyncset.done $0x0  }
0xa0: {  	[sflag:s22] =	ssyncadd.s32 s4;
	_ =	sdelay $0x1  }
0xa1: {  	s23 =	simm.s32 $0x1B8B  }
0xa2: {  	_ =	swait.ge [sflag:s23], $0x1  }
0xa3: {  	[sflag:s23] =	ssyncset.done $0x0  }
0xa4: {  	s25 =	simm.s32 $0x1B8E;
	s24 =	sld [smem:$0x3FFE];
	[sflag:s23] =	ssyncadd.s32 $0xFFFFFFFF  }
0xa5: {  	s26 =	simm.s32 $execute0_lowered;
	[smem:$0x3FD2] =	sst s25  }
0xa6: {  	s5 =	sshll.u32 s26, $0x1;
	_ =	strace $0x8000004C;
	[dreg:$0x1] =	wrdreg $0xFFFFFFFF  }
0xa7: {  	s28 =	simm.s32 $_size_execute0_lowered;
	s3 =	sadd.s32 s3, s5;
	[dreg:$0x0] =	wrdreg $0x0  }
0xa8: {  	s5 =	sshll.u32 s28, $0x1;
	[dreg:$0x2] =	wrdreg s3  }
0xa9: {  	[dreg:$0x3] =	wrdreg s5  }
0xaa: {  	[dreg:$0x4] =	wrdreg $0xC0  }
0xab: {  	_ =	task [dreg:s7], $0x5FFFF  }
0xac: {  	[dreg:$0x1] =	wrdreg $0xFFFFFFFF  }
0xad: {  	[dreg:$0x0] =	wrdreg $0x60  }
0xae: {  	[dreg:$0x2] =	wrdreg s2  }
0xaf: {  	[dreg:$0x3] =	wrdreg s24  }
0xb0: {  	[dreg:$0x4] =	wrdreg $0x0  }
0xb1: {  	[dreg:$0x5] =	wrdreg $0x9  }
0xb2: {  	_ =	task.clear_ibuf [dreg:s7], $0x6FFFF;
	_ =	strace $0x9000004C  }
0xb3: {  	s29 =	simm.s32 $0x9;
	_ =	strace $0x8000004E  }
0xb4: {  	_ =	swait.ge [sflag:s29], $0x1  }
0xb5: {  	[sflag:s29] =	ssyncadd.s32 $0xFFFFFFFF  }
0xb6: {  	_ =	strace $0x9000004E  }
0xb7: {  	_ =	sfence  }
0xb8: {  	s30 =	sld [smem:$0x0];
	_ =	sdelay $0x2  }
0xb9: {  	s31 =	sshll.u32 s1, $0xD;
	s1 =	sshrl.u32 s1, $0x2  }
0xba: {  	s3 =	sand.u32 $0x4000, s31;
	s1 =	sadd.s32 s1, s30  }
0xbb: {  	s0 =	sor.u32 s3, s0;
	s1 =	sshll.u32 s1, $0x11  }
0xbc: {  	s0 =	sor.u32 s1, s0  }
0xbd: {  	s0 =	sadd.s32 $0x8F2B, s0  }
0xbe: {  	[sflag:s0] =	ssyncadd.remote.s32 $0x1  }
0xbf: {  	_ =	sfence.sel $0xFFFF  }
0xc0: {  	[dreg:$0x0] =	wrdreg $0xFFFFFFFF;
	(pc) =	sbr.abs _section_cstart, $3  }
0xc1: {  	[dreg:$0x1] =	wrdreg $0xFFFFFFFF  }
0xc2: {  	_ =	task.clear_ibuf [dreg:s7], $0x2FFFF;
	_ =	strace $0x9FFFFFFF  }
0xc3: {  	(tm) =	ssettm $0x7FFFFFFF  }
tec
execute0_lowered:
.L_overlay_start_1:
0x0: {  	(tag) =	ssettag $0x1  }
0x1: {  	s7 =	rddreg [dreg:$0x0]  }
0x2: {  	s5 =	rddreg [dreg:$0x1]  }
0x3: {  	s0 =	srdreg.scid;
	s2 =	rddreg [dreg:$0x2]  }
0x4: {  	s1 =	rddreg [dreg:$0x3];
	s6 =	sand.u32 $0x1, s0  }
0x5: {  	s0 =	stileid.u32;
	s4 =	smul.u32 $0x28000, s6  }
0x6: {  	s3 =	simm.s32 $0x0;
	s16 =	simm.s32 $0x19000;
	s8 =	smul.u32 $0x2800, s0  }
0x7: {  	s17 =	simm.s32 $0x1;
	[smem:$0x7FF] =	sst s3;
	s26 =	smul.u32 $0x14000, s0  }
0x8: {  	s18 =	simm.s32 $0x0;
	s10 =	smul.u32 $0x140000, s6;
	_ =	strace $0x8000004D  }
0x9: {  	s6 =	ssub.s32 $0x2, s6;
	s28 =	smul.u32 $0x50000, s0;
	s31 =	sshll.u32 s0, $0x6  }
0xa: {  	s29 =	sshrl.u32 s6, $0x1;
	s4 =	sadd.s32 s8, s4;
	s12 =	sshrl.u32 s26, $0x3  }
0xb: {  	s8 =	sadd.s32 s26, s10;
	s14 =	ssub.s32 s6, s29;
	s30 =	sshrl.u32 s28, $0x2  }
0xc: {  	s6 =	sor.u32 $0x1C02, s31;
	s9 =	sshrl.u32 s4, $0x3;
	s4 =	sadd.s32 $0xC200, s5  }
0xd: {  	s8 =	sshrl.u32 s8, $0x3;
	s12 =	sadd.s32 s12, s5;
	s15 =	sadd.s32 s30, s2  }
0xe: {  	s10 =	smax.u32 s14, $0x1;
	s14 =	simm.s32 $0x16800;
	s11 =	sadd.s32 s9, s5  }
0xf: {  	s13 =	sadd.s32 s8, s5;
	s5 =	sadd.s32 $0x34200, s12;
	s7 =	sadd.s32 s7, s9  }
0x10: {  	s12 =	simm.s32 $0x2;
	s8 =	sadd.s32 $0x2200, s11;
	s9 =	sadd.s32 $0x5C200, s13  }
0x11: {  	s11 =	sshrl.u32 s15, $0x3;
	s13 =	simm.s32 $0x14000;
	s15 =	simm.s32 $0x80  }
.LBB2_1:
0x12: {  	[spmem:s11], [sflag:s6] =	dma.local [hbm:s5], $0x2800  }
0x13: {  	_ =	swait.ge [sflag:s12], $0x2800  }
0x14: {  	[sflag:s12] =	ssyncset.done $0x0  }
0x15: {  	[sflag:s12] =	ssyncadd.s32 $0xFFFFD800  }
0x16: {  	[tilespmem:s13], [sflag:$0x2] =	stream.linear.gather [hbm4b:s7+s3], $0x2800, $0x38;
	[tilespmem:$0x1D000] =	vst v63  }
0x17: {  	_ =	swait.ge [sflag:s12], $0x2800  }
0x18: {  	[sflag:s12] =	ssyncset.done $0x0  }
0x19: {  	[sflag:s12] =	ssyncadd.s32 $0xFFFFD800  }
0x1a: {  	[tilespmem:s14], [sflag:$0x2] =	stream.linear.gather [hbm4b:s8+s3], $0x2800, $0x38;
	[tilespmem:$0x1D000] =	vst v63  }
0x1b: {  	_ =	swait.ge [sflag:s12], $0x2800  }
0x1c: {  	[sflag:s12] =	ssyncset.done $0x0  }
0x1d: {  	[sflag:s12] =	ssyncadd.s32 $0xFFFFD800  }
0x1e: {  	s19 =	simm.s32 $0x14000;
	[bflag:$0x0] =	sbarrier.arrive $0xFFFF  }
0x1f: {  	[tilespmem:s16], [sflag:$0x1] =	stream.indirect.gather [hbm4b:s4+s15], $0x80, s19, s15, $0xb8;
	[tilespmem:$0x1D000] =	vst v63  }
0x20: {  	_ =	swait.ge [sflag:s17], $0x4000  }
0x21: {  	[sflag:s17] =	ssyncset.done $0x0  }
0x22: {  	s31 =	simm.s32 $0x16800;
	[sflag:s17] =	ssyncadd.s32 $0xFFFFC000  }
0x23: {  	[spmem:s2] =	stream.indirect.scatter.add.f32 [tilespmem:s16], [sflag:$0x2], $0x80, s31, s15, $0xb8;
	[tilespmem:$0x1D000] =	vst v63  }
0x24: {  	_ =	swait.ge [sflag:s12], $0x4000  }
0x25: {  	s20 =	simm.s32 $0x400;
	s19 =	simm.s32 $0x80;
	[sflag:s12] =	ssyncset.done $0x0  }
.LBB2_2:
0x26: {  	s21 =	sadd.s32 $0x14000, s19  }
0x27: {  	[sflag:s12] =	ssyncadd.s32 $0xFFFFC000;
	s22 =	smov.u32 s20;
	s23 =	sadd.s32 $0x200, s20  }
0x28: {  	[tilespmem:s16], [sflag:$0x1] =	stream.indirect.gather [hbm4b:s4+s15], $0x80, s21, s15, $0xb8;
	[tilespmem:$0x1D000] =	vst v63  }
0x29: {  	p0 =	sne.s32 s20, $0x9E00;
	_ =	swait.ge [sflag:s17], $0x4000  }
.Ltmp0:
0x2a: {  	[sflag:s17] =	ssyncset.done $0x0;
	(pc) =	sbr.rel @p0 .LBB2_2-.Ltmp0, $4  }
0x2b: {  	s19 =	sadd.s32 $0x16800, s19;
	[sflag:s17] =	ssyncadd.s32 $0xFFFFC000  }
0x2c: {  	[spmem:s2] =	stream.indirect.scatter.add.f32 [tilespmem:s16], [sflag:$0x2], $0x80, s19, s15, $0xb8;
	[tilespmem:$0x1D000] =	vst v63  }
0x2d: {  	_ =	swait.ge [sflag:s12], $0x4000  }
0x2e: {  	s20 =	smov.u32 s23;
	s19 =	sshra.s32 s22, $0x2;
	[sflag:s12] =	ssyncset.done $0x0  }
0x2f: {  	s20 =	sadd.s32 $0x14000, s19;
	[sflag:s12] =	ssyncadd.s32 $0xFFFFC000  }
0x30: {  	[tilespmem:s16], [sflag:$0x1] =	stream.indirect.gather [hbm4b:s4+s15], $0x80, s20, s15, $0xb8;
	[tilespmem:$0x1D000] =	vst v63  }
0x31: {  	_ =	swait.ge [sflag:s17], $0x4000  }
0x32: {  	[sflag:s17] =	ssyncset.done $0x0  }
0x33: {  	s31 =	sadd.s32 $0x16800, s19;
	[sflag:s17] =	ssyncadd.s32 $0xFFFFC000  }
0x34: {  	[spmem:s2] =	stream.indirect.scatter.add.f32 [tilespmem:s16], [sflag:$0x2], $0x80, s31, s15, $0xb8;
	[tilespmem:$0x1D000] =	vst v63  }
0x35: {  	_ =	swait.ge [sflag:s12], $0x4000  }
0x36: {  	s18 =	sadd.s32 $0x1, s18;
	[sflag:s12] =	ssyncset.done $0x0  }
0x37: {  	p0 =	sne.s32 s18, s10;
	[sflag:s12] =	ssyncadd.s32 $0xFFFFC000  }
.Ltmp1:
0x38: {  	[bflag:$0x0] =	sbarrier.arrive $0xFFFF;
	(pc) =	sbr.rel @p0 .LBB2_1-.Ltmp1, $4  }
0x39: {  	[hbm:s9], [sflag:s6] =	dma.local [spmem:s11], $0x2800  }
0x3a: {  	_ =	swait.ge [sflag:s12], $0x2800  }
0x3b: {  	[sflag:s12] =	ssyncset.done $0x0  }
0x3c: {  	[sflag:s12] =	ssyncadd.s32 $0xFFFFD800  }
0x3d: {  	_ =	sfence.sel $0x180000  }
0x3e: {  	[bflag:$0x0] =	sbarrier.arrive $0xFFFF  }
0x3f: {  	p0 =	sne.s32 s0, $0x0;
	_ =	strace $0x9000004D  }
0x40: {  	s0 =	sadd.s32 @!p0 $0x100000, s1;
	[bflag:$0x2] =	sbarrier.arrive $0xFFFF  }
0x41: {  	[sflag:s0] =	ssyncadd.tile.s32 @!p0 $0x1;
	_ =	shalt  }
.Lfunc_end2:
_tile_overlayer_lowered:
.L_overlay_start_2:
0x42: {  	(tag) =	ssettag $0x2  }
0x43: {  	s0 =	rddreg [dreg:$0x0];
	s2 =	stileid.u32  }
0x44: {  	s1 =	rddreg [dreg:$0x1];
	p0 =	sne.s32 s2, $0x0  }
0x45: {  	s3 =	rddreg [dreg:$0x2];
	[bflag:$0x3] =	sbarrier.arrive $0xFFFF;
	s2 =	simm.s32 @!p0 $0x1C02  }
0x46: {  	[timem:s3], [sflag:s2] =	dma.local @!p0 [hbm:s0], s1  }
0x47: {  	s0 =	simm.s32 @!p0 $0x2  }
0x48: {  	_ =	swait.ge @!p0 [sflag:s0], s1  }
0x49: {  	s1 =	ssub.s32 @!p0 $0x0, s1;
	[sflag:s0] =	ssyncset.done @!p0 $0x0  }
0x4a: {  	[sflag:s0] =	ssyncadd.s32 @!p0 s1  }
0x4b: {  	[bflag:$0x3] =	sbarrier.arrive $0xFFFF  }
0x4c: {  	_ =	shalt  }

// kernel: kernel.7.cloned.1.call-start
scs
__scs_entry_jumppad:
0x0: {  	(pc) =	sbr.rel $0x88, $3  }
0x1: {  	(tag) =	ssettag $0x0;
	lr =	simm.s32 $0x1  }
0x2: {  	[smem:$0x3F99] =	sst lr;
	_ =	strace $0xD0000000  }
0x3: {  	_ = 	snop  }
0x4: {  	_ = 	snop  }
0x5: {  	_ = 	snop  }
0x6: {  	_ = 	snop  }
0x7: {  	_ = 	snop  }
__scs_overlays_trampoline_lowered:
0x8: {  	[smem:$0x3FA8] =	sst s0  }
0x9: {  	[smem:$0x3FA9] =	sst s1  }
0xa: {  	[smem:$0x3FAA] =	sst s2  }
0xb: {  	[smem:$0x3FAB] =	sst s3  }
0xc: {  	[smem:$0x3FAC] =	sst s4  }
0xd: {  	[smem:$0x3FAD] =	sst s5  }
0xe: {  	[smem:$0x3FAE] =	sst s6  }
0xf: {  	[smem:$0x3FAF] =	sst s7  }
0x10: {  	[smem:$0x3FB0] =	sst s8  }
0x11: {  	[smem:$0x3FB1] =	sst s9;
	s0 =	simm.s32 @!p0 $0x0  }
0x12: {  	s1 =	sld [smem:$0x3F97];
	s0 =	simm.s32 @p0 $0x1  }
0x13: {  	[smem:$0x3FB2] =	sst s0;
	s0 =	simm.s32 @!p1 $0x0  }
0x14: {  	s2 =	sld [smem:$0x3F96];
	s0 =	simm.s32 @p1 $0x1  }
0x15: {  	[smem:$0x3FB3] =	sst s0;
	s0 =	simm.s32 @!p2 $0x0  }
0x16: {  	s3 =	sld [smem:$0x3FDB];
	s0 =	simm.s32 @p2 $0x1  }
0x17: {  	s4 =	simm.s32 $0x1BF5;
	[smem:$0x3FB5] =	sst s0  }
0x18: {  	s0 =	sld [smem:$0x3F98];
	_ =	swait.ge [sflag:s4], $0x0  }
0x19: {  	s7 =	sld [smem:$0x3F99]  }
0x1a: {  	s8 =	sadd.s32 $0xFFFFE003, lr  }
0x1b: {  	s9 =	sadd.s32 $0xFFFFFEF7, lr;
	s5 =	simm.s32 $0xFFFFFFFF;
	p2 =	slt.u32 s8, $0xFFFFF086  }
0x1c: {  	p1 =	slt.u32 s9, $0xF7A;
	s5 =	simm.s32 @!p2 $0x0  }
0x1d: {  	s5 =	simm.s32 @p1 $0x1;
	p0 =	seq.s32 s7, s2  }
0x1e: {  	s7 =	smul.u32 @!p0 $0xF7A, s2;
	p2 =	seq.s32 @!p0 s5, $0x0  }
0x1f: {  	s9 =	smul.u32 $0xF7A, s1;
	s8 =	simm.s32 @!p0 $0x1BF5;
	p2 =	por !p2, p0  }
0x20: {  	[sflag:s8] =	ssyncset.s32 @!p0 $0xFFFFF086;
	s6 =	sadd.s32 @!p0 s3, s7;
	s7 =	simm.s32 @!p0 $0x108  }
0x21: {  	s3 =	sadd.s32 s3, s9;
	s6 =	sadd.s32 @!p0 $0x88, s6;
	s7 =	simm.s32 @p2 $0x1082  }
0x22: {  	[simem:s7], [sflag:s8] =	dma.local @!p0 [hbm:s6], $0xF7A  }
0x23: {  	s9 =	sor.u32 $0xD0000000, s2;
	s6 =	simm.s32 $0x108;
	_ =	swait.ge @!p0 [sflag:s8], $0x0  }
0x24: {  	s3 =	sadd.s32 $0x88, s3;
	s6 =	simm.s32 @!p1 $0x1082;
	[sflag:s4] =	ssyncset.s32 $0xFFFFF086  }
0x25: {  	[simem:s6], [sflag:s4] =	dma.local [hbm:s3], $0xF7A  }
0x26: {  	[smem:$0x3F99] =	sst s1;
	(tag) =	ssettag s2;
	_ =	strace s9  }
0x27: {  	s1 =	sld [smem:$0x3FA9]  }
0x28: {  	s2 =	sld [smem:$0x3FAA]  }
0x29: {  	s4 =	sld [smem:$0x3FAC]  }
0x2a: {  	p0 =	seq.s32 s5, $0x0;
	s5 =	sld [smem:$0x3FAD]  }
0x2b: {  	s6 =	sld [smem:$0x3FAE]  }
0x2c: {  	s7 =	sld [smem:$0x3FAF]  }
0x2d: {  	s3 =	simm.s32 $0x108;
	s8 =	sld [smem:$0x3FB0]  }
0x2e: {  	s3 =	simm.s32 @!p0 $0x1082;
	s9 =	sld [smem:$0x3FB1]  }
0x2f: {  	lr =	sadd.s32 s0, s3;
	s0 =	sld [smem:$0x3FA8]  }
0x30: {  	s3 =	sld [smem:$0x3FAB]  }
0x31: {  	[smem:$0x3FB4] =	sst s10  }
0x32: {  	s10 =	sld [smem:$0x3FB2];
	_ =	sdelay $0x3  }
0x33: {  	p0 =	seq.s32 s10, $0x1;
	s10 =	sld [smem:$0x3FB4];
	_ =	sdelay $0x3  }
0x34: {  	[smem:$0x3FB4] =	sst s10  }
0x35: {  	s10 =	sld [smem:$0x3FB3];
	_ =	sdelay $0x3  }
0x36: {  	p1 =	seq.s32 s10, $0x1;
	s10 =	sld [smem:$0x3FB4];
	_ =	sdelay $0x3  }
0x37: {  	[smem:$0x3FB4] =	sst s10  }
0x38: {  	s10 =	sld [smem:$0x3FB5]  }
0x39: {  	_ = 	snop;
	(pc) =	sbr.ind lr, $3  }
0x3a: {  	_ = 	snop  }
0x3b: {  	_ = 	snop  }
0x3c: {  	p2 =	seq.s32 s10, $0x1;
	s10 =	sld [smem:$0x3FB4]  }
0x3d: {  	_ =	shalt  }
0x3e: {  	_ =	shalt  }
0x3f: {  	_ =	shalt  }
0x40: {  	_ =	shalt  }
0x41: {  	_ =	shalt  }
0x42: {  	_ =	shalt  }
0x43: {  	_ =	shalt  }
0x44: {  	_ =	shalt  }
0x45: {  	_ =	shalt  }
0x46: {  	_ =	shalt  }
0x47: {  	_ =	shalt  }
0x48: {  	_ =	shalt  }
0x49: {  	_ =	shalt  }
0x4a: {  	_ =	shalt  }
0x4b: {  	_ =	shalt  }
0x4c: {  	_ =	shalt  }
0x4d: {  	_ =	shalt  }
0x4e: {  	_ =	shalt  }
0x4f: {  	_ =	shalt  }
0x50: {  	_ =	shalt  }
0x51: {  	_ =	shalt  }
0x52: {  	_ =	shalt  }
0x53: {  	_ =	shalt  }
0x54: {  	_ =	shalt  }
0x55: {  	_ =	shalt  }
0x56: {  	_ =	shalt  }
0x57: {  	_ =	shalt  }
0x58: {  	_ =	shalt  }
0x59: {  	_ =	shalt  }
0x5a: {  	_ =	shalt  }
0x5b: {  	_ =	shalt  }
0x5c: {  	_ =	shalt  }
0x5d: {  	_ =	shalt  }
0x5e: {  	_ =	shalt  }
0x5f: {  	_ =	shalt  }
0x60: {  	_ =	shalt  }
0x61: {  	_ =	shalt  }
0x62: {  	_ =	shalt  }
0x63: {  	_ =	shalt  }
0x64: {  	_ =	shalt  }
0x65: {  	_ =	shalt  }
0x66: {  	_ =	shalt  }
0x67: {  	_ =	shalt  }
0x68: {  	_ =	shalt  }
0x69: {  	_ =	shalt  }
0x6a: {  	_ =	shalt  }
0x6b: {  	_ =	shalt  }
0x6c: {  	_ =	shalt  }
0x6d: {  	_ =	shalt  }
0x6e: {  	_ =	shalt  }
0x6f: {  	_ =	shalt  }
0x70: {  	_ =	shalt  }
0x71: {  	_ =	shalt  }
0x72: {  	_ =	shalt  }
0x73: {  	_ =	shalt  }
0x74: {  	_ =	shalt  }
0x75: {  	_ =	shalt  }
0x76: {  	_ =	shalt  }
0x77: {  	_ =	shalt  }
0x78: {  	_ =	shalt  }
0x79: {  	_ =	shalt  }
0x7a: {  	_ =	shalt  }
0x7b: {  	_ =	shalt  }
0x7c: {  	_ =	shalt  }
0x7d: {  	_ =	shalt  }
0x7e: {  	_ =	shalt  }
0x7f: {  	_ =	shalt  }
0x80: {  	_ =	shalt  }
0x81: {  	_ =	shalt  }
0x82: {  	_ =	shalt  }
0x83: {  	_ =	shalt  }
0x84: {  	_ =	shalt  }
0x85: {  	_ =	shalt  }
0x86: {  	_ =	shalt  }
0x87: {  	_ =	shalt  }
.Lfunc_end0:
.L_simem_size_0:
called_computation_lowered:
.L_overlay_start_0:
0x88: {  	s2 =	sld [smem:$0x3FD9]  }
0x89: {  	s3 =	sld [smem:$0x3FFE];
	_ =	sdelay $0x1  }
0x8a: {  	s1 =	srdreg.scid  }
0x8b: {  	s0 =	sand.u32 $0x1, s1  }
0x8c: {  	s17 =	sshll.u32 s0, $0xA;
	s2 =	sadd.s32 s3, s2  }
0x8d: {  	s2 =	sadd.s32 s2, s17  }
0x8e: {  	[smem:$0x3FC0] =	sst s2  }
0x8f: {  	_ = 	snop  }
0x90: {  	(tm) =	ssettm $0x1  }
0x91: {  	s18 =	sld [smem:$0x3FFB];
	_ =	sdelay $0x3  }
0x92: {  	_ =	strace s18  }
0x93: {  	s2 =	sld [smem:$0x3FFC];
	_ =	sdelay $0x3  }
0x94: {  	_ =	strace s2  }
0x95: {  	s2 =	sld [smem:$0x3FFD];
	_ =	sdelay $0x3  }
0x96: {  	_ =	strace s2  }
0x97: {  	_ =	strace $0x8FFFFFFF  }
0x98: {  	s19 =	sld [smem:$0x3FDB];
	_ =	sdelay $0x1  }
0x99: {  	s20 =	simm.s32 $_scs_section_size  }
0x9a: {  	s4 =	simm.s32 $_size__tile_overlayer_lowered;
	s5 =	simm.s32 $_tile_overlayer_lowered  }
0x9b: {  	s6 =	simm.s32 $0x1BFF;
	s21 =	sshll.u32 s5, $0x1;
	s3 =	sadd.s32 s20, s19  }
0x9c: {  	s22 =	simm.s32 $0x0;
	s4 =	sshll.u32 s4, $0x1;
	s5 =	sadd.s32 s21, s3  }
0x9d: {  	[timem:s22], [sflag:s6] =	dma.local [hbm:s5], s4  }
0x9e: {  	_ =	swait.ge [sflag:s6], s4  }
0x9f: {  	s4 =	ssub.s32 $0x0, s4;
	[sflag:s6] =	ssyncset.done $0x0  }
0xa0: {  	[sflag:s6] =	ssyncadd.s32 s4;
	_ =	sdelay $0x1  }
0xa1: {  	s23 =	simm.s32 $0x1B8B  }
0xa2: {  	_ =	swait.ge [sflag:s23], $0x1  }
0xa3: {  	[sflag:s23] =	ssyncset.done $0x0  }
0xa4: {  	[sflag:s23] =	ssyncadd.s32 $0xFFFFFFFF  }
0xa5: {  	s4 =	sld [smem:$0x0]  }
0xa6: {  	s5 =	sand.u32 $0xFFFFFFFE, s1  }
0xa7: {  	p0 =	sne.s32 s1, s5  }
0xa8: {  	s5 =	sshll.u32 @p0 s5, $0xE  }
0xa9: {  	s5 =	sadd.s32 @p0 $0x11B8D, s5;
	s6 =	sshll.u32 @p0 s4, $0x11  }
0xaa: {  	s5 =	sor.u32 @p0 s6, s5  }
0xab: {  	[sflag:s5] =	ssyncadd.remote.s32 @p0 $0x1;
	_ =	sdelay $0x1  }
0xac: {  	s5 =	simm.s32 @p0 $0x1B8D  }
0xad: {  	_ =	swait.eq @p0 [sflag:s5], $0x1  }
0xae: {  	[sflag:s5] =	ssyncadd.s32 @p0 $0xFFFFFFFF  }
0xaf: {  	s6 =	sshll.u32 @!p0 s1, $0xE  }
0xb0: {  	s6 =	sor.u32 @!p0 $0x4000, s6;
	s5 =	simm.s32 @!p0 $0x1B8D  }
0xb1: {  	s4 =	sshll.u32 @!p0 s4, $0x11;
	s6 =	sadd.s32 @!p0 $0x11B8D, s6;
	_ =	swait.eq @!p0 [sflag:s5], $0x1  }
0xb2: {  	s4 =	sor.u32 @!p0 s4, s6;
	[sflag:s5] =	ssyncadd.s32 @!p0 $0xFFFFFFFF  }
0xb3: {  	s25 =	simm.s32 $0x1B8E;
	s24 =	sld [smem:$0x3FFE];
	[sflag:s4] =	ssyncadd.remote.s32 @!p0 $0x1  }
0xb4: {  	s26 =	simm.s32 $execute0_lowered;
	[smem:$0x3FD2] =	sst s25  }
0xb5: {  	s5 =	sshll.u32 s26, $0x1;
	_ =	strace $0x80000049;
	[dreg:$0x1] =	wrdreg $0xFFFFFFFF  }
0xb6: {  	s28 =	simm.s32 $_size_execute0_lowered;
	s3 =	sadd.s32 s3, s5;
	[dreg:$0x0] =	wrdreg $0x0  }
0xb7: {  	s5 =	sshll.u32 s28, $0x1;
	[dreg:$0x2] =	wrdreg s3  }
0xb8: {  	[dreg:$0x3] =	wrdreg s5  }
0xb9: {  	[dreg:$0x4] =	wrdreg $0xC0  }
0xba: {  	_ =	task [dreg:s22], $0x5FFFF  }
0xbb: {  	[dreg:$0x1] =	wrdreg $0xFFFFFFFF  }
0xbc: {  	[dreg:$0x0] =	wrdreg $0x60  }
0xbd: {  	[dreg:$0x2] =	wrdreg s24  }
0xbe: {  	[dreg:$0x3] =	wrdreg $0x0  }
0xbf: {  	[dreg:$0x4] =	wrdreg $0x9  }
0xc0: {  	_ =	task.clear_ibuf [dreg:s22], $0x5FFFF;
	_ =	strace $0x90000049  }
0xc1: {  	s29 =	simm.s32 $0x9;
	_ =	strace $0x8000004B  }
0xc2: {  	_ =	swait.ge [sflag:s29], $0x1  }
0xc3: {  	[sflag:s29] =	ssyncadd.s32 $0xFFFFFFFF  }
0xc4: {  	_ =	strace $0x9000004B  }
0xc5: {  	_ =	sfence  }
0xc6: {  	s30 =	sld [smem:$0x0];
	_ =	sdelay $0x2  }
0xc7: {  	s31 =	sshll.u32 s1, $0xD;
	s1 =	sshrl.u32 s1, $0x2  }
0xc8: {  	s4 =	sand.u32 $0x4000, s31;
	s1 =	sadd.s32 s1, s30  }
0xc9: {  	s0 =	sor.u32 s4, s0;
	s1 =	sshll.u32 s1, $0x11  }
0xca: {  	s0 =	sor.u32 s1, s0  }
0xcb: {  	s0 =	sadd.s32 $0x8F2B, s0  }
0xcc: {  	[sflag:s0] =	ssyncadd.remote.s32 $0x1  }
0xcd: {  	_ =	sfence.sel $0xFFFF  }
0xce: {  	[dreg:$0x0] =	wrdreg $0xFFFFFFFF;
	(pc) =	sbr.abs _section_cstart, $3  }
0xcf: {  	[dreg:$0x1] =	wrdreg $0xFFFFFFFF  }
0xd0: {  	_ =	task.clear_ibuf [dreg:s22], $0x2FFFF;
	_ =	strace $0x9FFFFFFF  }
0xd1: {  	(tm) =	ssettm $0x7FFFFFFF  }
tec
execute0_lowered:
.L_overlay_start_1:
0x0: {  	(tag) =	ssettag $0x1  }
0x1: {  	s5 =	rddreg [dreg:$0x0]  }
0x2: {  	s0 =	srdreg.scid;
	s2 =	rddreg [dreg:$0x1]  }
0x3: {  	s1 =	rddreg [dreg:$0x2];
	s4 =	sand.u32 $0x1, s0  }
0x4: {  	s0 =	stileid.u32;
	s6 =	smul.u32 $0x28000, s4  }
0x5: {  	s3 =	simm.s32 $0x0;
	s14 =	simm.s32 $0x80;
	s7 =	smul.u32 $0x2800, s0  }
0x6: {  	s15 =	simm.s32 $0x0;
	[smem:$0x7FF] =	sst s3;
	s8 =	smul.u32 $0x14000, s0  }
0x7: {  	s24 =	smul.u32 $0x140000, s4;
	_ =	strace $0x8000004A;
	s26 =	ssub.s32 $0x2, s4  }
0x8: {  	s28 =	smul.u32 $0x50000, s0;
	s4 =	sadd.s32 $0xD4200, s5;
	s31 =	sshll.u32 s0, $0x6  }
0x9: {  	s29 =	sshrl.u32 s26, $0x1;
	s6 =	sadd.s32 s7, s6;
	s9 =	sshrl.u32 s8, $0x3  }
0xa: {  	s7 =	sadd.s32 s8, s24;
	s12 =	ssub.s32 s26, s29;
	s30 =	sshrl.u32 s28, $0x2  }
0xb: {  	s6 =	sshrl.u32 s6, $0x3;
	s25 =	sadd.s32 s9, s5;
	s7 =	sshrl.u32 s7, $0x3  }
0xc: {  	s13 =	sadd.s32 s30, s2;
	s9 =	smax.u32 s12, $0x1;
	s12 =	simm.s32 $0x5000  }
0xd: {  	s10 =	sadd.s32 s6, s5;
	s11 =	sadd.s32 s7, s5;
	s5 =	sadd.s32 $0xAC200, s25  }
0xe: {  	s6 =	sor.u32 $0x1C01, s31;
	s7 =	sadd.s32 $0x2200, s10;
	s8 =	sadd.s32 $0xD4A00, s11  }
0xf: {  	s10 =	sshrl.u32 s13, $0x3;
	s11 =	simm.s32 $0x1;
	s13 =	simm.s32 $0x2800  }
.LBB2_1:
0x10: {  	[spmem:s10], [sflag:s6] =	dma.local [hbm:s5], $0x2800  }
0x11: {  	_ =	swait.ge [sflag:s11], $0x2800  }
0x12: {  	[sflag:s11] =	ssyncset.done $0x0  }
0x13: {  	[sflag:s11] =	ssyncadd.s32 $0xFFFFD800  }
0x14: {  	[tilespmem:s12], [sflag:$0x1] =	stream.linear.gather [hbm4b:s4+s3], $0x4000, $0x38;
	[tilespmem:$0x9000] =	vst v63  }
0x15: {  	_ =	swait.ge [sflag:s11], $0x4000  }
0x16: {  	[sflag:s11] =	ssyncset.done $0x0  }
0x17: {  	[sflag:s11] =	ssyncadd.s32 $0xFFFFC000  }
0x18: {  	[tilespmem:s13], [sflag:$0x1] =	stream.linear.gather [hbm4b:s7+s3], $0x2800, $0x38;
	[tilespmem:$0x9000] =	vst v63  }
0x19: {  	_ =	swait.ge [sflag:s11], $0x2800  }
0x1a: {  	[sflag:s11] =	ssyncset.done $0x0  }
0x1b: {  	[sflag:s11] =	ssyncadd.s32 $0xFFFFD800  }
0x1c: {  	s16 =	simm.s32 $0x2800;
	[bflag:$0x0] =	sbarrier.arrive $0xFFFF  }
0x1d: {  	[spmem:s2] =	stream.indirect.scatter.add.f32 [tilespmem:s12], [sflag:$0x1], $0x10, s16, s14, $0xb8;
	[tilespmem:$0x9000] =	vst v63  }
0x1e: {  	s16 =	simm.s32 $0x200;
	_ =	swait.ge [sflag:s11], $0x800  }
.LBB2_2:
0x1f: {  	s17 =	sshra.s32 s16, $0x2;
	[sflag:s11] =	ssyncset.done $0x0;
	p0 =	sne.s32 s16, $0x9E00  }
.Ltmp0:
0x20: {  	s17 =	sadd.s32 $0x2800, s17;
	[sflag:s11] =	ssyncadd.s32 $0xFFFFF800;
	(pc) =	sbr.rel @p0 .LBB2_2-.Ltmp0, $3  }
0x21: {  	[spmem:s2] =	stream.indirect.scatter.add.f32 [tilespmem:s12], [sflag:$0x1], $0x10, s17, s14, $0xb8;
	[tilespmem:$0x9000] =	vst v63  }
0x22: {  	s16 =	sadd.s32 $0x200, s16;
	_ =	sdelay $0x1  }
0x23: {  	_ =	swait.ge [sflag:s11], $0x800  }
0x24: {  	[sflag:s11] =	ssyncset.done $0x0;
	s15 =	sadd.s32 $0x1, s15  }
0x25: {  	[sflag:s11] =	ssyncadd.s32 $0xFFFFF800;
	p0 =	sne.s32 s15, s9  }
.Ltmp1:
0x26: {  	[bflag:$0x0] =	sbarrier.arrive $0xFFFF;
	(pc) =	sbr.rel @p0 .LBB2_1-.Ltmp1, $4  }
0x27: {  	[hbm:s8], [sflag:s6] =	dma.local [spmem:s10], $0x2800  }
0x28: {  	_ =	swait.ge [sflag:s11], $0x2800  }
0x29: {  	[sflag:s11] =	ssyncset.done $0x0  }
0x2a: {  	[sflag:s11] =	ssyncadd.s32 $0xFFFFD800  }
0x2b: {  	_ =	sfence.sel $0x180000  }
0x2c: {  	[bflag:$0x0] =	sbarrier.arrive $0xFFFF  }
0x2d: {  	p0 =	sne.s32 s0, $0x0;
	_ =	strace $0x9000004A  }
0x2e: {  	s0 =	sadd.s32 @!p0 $0x100000, s1;
	[bflag:$0x2] =	sbarrier.arrive $0xFFFF  }
0x2f: {  	[sflag:s0] =	ssyncadd.tile.s32 @!p0 $0x1;
	_ =	shalt  }
.Lfunc_end2:
_tile_overlayer_lowered:
.L_overlay_start_2:
0x30: {  	(tag) =	ssettag $0x2  }
0x31: {  	s0 =	rddreg [dreg:$0x0];
	s2 =	stileid.u32  }
0x32: {  	s1 =	rddreg [dreg:$0x1];
	p0 =	sne.s32 s2, $0x0  }
0x33: {  	s3 =	rddreg [dreg:$0x2];
	[bflag:$0x3] =	sbarrier.arrive $0xFFFF;
	s2 =	simm.s32 @!p0 $0x1C01  }
0x34: {  	[timem:s3], [sflag:s2] =	dma.local @!p0 [hbm:s0], s1  }
0x35: {  	s0 =	simm.s32 @!p0 $0x1  }
0x36: {  	_ =	swait.ge @!p0 [sflag:s0], s1  }
0x37: {  	s1 =	ssub.s32 @!p0 $0x0, s1;
	[sflag:s0] =	ssyncset.done @!p0 $0x0  }
0x38: {  	[sflag:s0] =	ssyncadd.s32 @!p0 s1  }
0x39: {  	[bflag:$0x3] =	sbarrier.arrive $0xFFFF  }
0x3a: {  	_ =	shalt  }

</sc_bundles>
